<compile_context>
chip_gen: v7x
topology: tpu7x:2x2x1
jax: 0.10.2.dev20260603
libtpu: 0.0.44.dev20260713+nightly
codegen_flags: <defaults>
</compile_context>

<pallas_src>
import functools

import jax
import jax.numpy as jnp
from jax import lax
from jax.experimental import pallas as pl
from jax.experimental.pallas import tpu as pltpu
from jax.experimental.pallas import tpu_sc as plsc

B, C, Wf, H = 16, 4, 128, 512
D_C, D_S, K = 256, 64, 1024
D_IN = C * Wf
N_TOK = B * H
HB_SC = 4
HB_TC = B - HB_SC
N_SC = HB_SC * H

_SC_NC, _SC_NS = 2, 16
_NW = _SC_NC * _SC_NS
_TOK_PER_W = N_SC // _NW
_N_STREAMS = max(1, _TOK_PER_W // 8)
_ROWS_PER_STREAM = _TOK_PER_W // _N_STREAMS

_HBM = pl.BlockSpec(memory_space=pltpu.MemorySpace.HBM)


def _bdot(a, b):
    return jax.lax.dot_general(a, b, (((1,), (0,)), ((), ())),
                               preferred_element_type=jnp.float32)


def _tdot(a, b):
    return jax.lax.dot_general(a, b, (((0,), (1,)), ((), ())),
                               preferred_element_type=jnp.float32)


def _split(a):
    hi = a.astype(jnp.bfloat16)
    lo = (a - hi.astype(jnp.float32)).astype(jnp.bfloat16)
    return hi, lo


def _encode(xb, wc, ws, cbt):
    emb = jax.lax.dot_general(xb, wc, (((0,), (0,)), ((), ())),
                              preferred_element_type=jnp.float32)
    es = jnp.tanh(jax.lax.dot_general(xb, ws, (((0,), (0,)), ((), ())),
                                      preferred_element_type=jnp.float32))
    es_mean = jnp.mean(es, axis=0, keepdims=True)

    cross = jnp.dot(emb, cbt)
    tn = jnp.sum(emb * emb, axis=1, keepdims=True)
    cbn = jnp.sum(cbt * cbt, axis=0, keepdims=True)
    d2 = (tn - 2.0 * cross) + cbn

    m = jnp.min(d2, axis=1, keepdims=True)
    ii = jax.lax.broadcasted_iota(jnp.int32, (H, K), 1)
    idx = jnp.min(jnp.where(d2 == m, ii, jnp.int32(K)), axis=1,
                  keepdims=True)
    return emb, es_mean, m, ii, idx


def _decode(q, es_mean, wd):
    wd_hi, wd_lo = _split(wd)
    q_hi, q_lo = _split(q)
    es_h, es_l = _split(es_mean)
    pre = (_tdot(wd_hi[:D_C], q_hi) + _tdot(wd_lo[:D_C], q_hi)
           + _tdot(wd_hi[:D_C], q_lo))
    sv = (_tdot(wd_hi[D_C:], es_h) + _tdot(wd_lo[D_C:], es_h)
          + _tdot(wd_hi[D_C:], es_l))
    return jnp.tanh(pre + sv)


def _encode_kernel(xb_ref, wc_ref, ws_ref, cbt_ref,
                   emb_ref, idx_ref, part_ref, embs_ref):
    i = pl.program_id(0)
    emb, es_mean, m, _, idx = _encode(xb_ref[0], wc_ref[...], ws_ref[...],
                                      cbt_ref[...])
    emb_ref[0] = emb
    idx_ref[0] = idx
    embs_ref[pl.ds(i, 1), :] = es_mean
    part_ref[pl.ds(i, 1), :] = jnp.full((1, 128), jnp.sum(m), jnp.float32)


def _mono_kernel(xb_ref, wc_ref, ws_ref, cbt_ref, cb_ref, wd_ref, _emb_any,
                 emb_ref, idx_ref, part_ref, embs_ref, quant_ref, rec_ref):
    i = pl.program_id(0)
    emb, es_mean, m, ii, idx = _encode(xb_ref[0], wc_ref[...], ws_ref[...],
                                       cbt_ref[...])
    emb_ref[0] = emb
    idx_ref[0] = idx
    embs_ref[pl.ds(i, 1), :] = es_mean
    part_ref[pl.ds(i, 1), :] = jnp.full((1, 128), jnp.sum(m), jnp.float32)

    oh = (ii == idx).astype(jnp.bfloat16)
    cb_hi, cb_lo = _split(cb_ref[...])
    q = _bdot(oh, cb_hi) + _bdot(oh, cb_lo)
    quant_ref[0] = q
    rec_ref[0] = _decode(q, es_mean, wd_ref[...])


def _tail_kernel(q_ref, wd_ref, embs_ref, _q_any, _r_any, quant_ref, rec_ref):
    i = pl.program_id(0)
    q = q_ref[0]
    quant_ref[0] = q
    rec_ref[0] = _decode(q, embs_ref[pl.ds(i, 1), :], wd_ref[...])


_SC_MESH = plsc.VectorSubcoreMesh(core_axis_name="c", subcore_axis_name="s")


@functools.partial(
    pl.kernel, mesh=_SC_MESH,
    out_type=jax.ShapeDtypeStruct((N_SC, 2, 128), jnp.float32),
    scratch_types=[
        pltpu.VMEM((_TOK_PER_W,), jnp.int32),
        pltpu.VMEM((_TOK_PER_W, 2, 128), jnp.float32),
        pltpu.SemaphoreType.DMA,
    ],
)
def _sc_gather(table_hbm, idx_hbm, out_hbm, idx_v, rows_v, sem):
    wid = lax.axis_index("s") * _SC_NC + lax.axis_index("c")
    base = wid * _TOK_PER_W
    pltpu.sync_copy(idx_hbm.at[pl.ds(base, _TOK_PER_W)], idx_v)
    copies = []
    for s in range(_N_STREAMS):
        o = s * _ROWS_PER_STREAM
        copies.append(pltpu.async_copy(
            table_hbm.at[idx_v.at[pl.ds(o, _ROWS_PER_STREAM)]],
            rows_v.at[pl.ds(o, _ROWS_PER_STREAM)], sem))
    for c in copies:
        c.wait()
    pltpu.sync_copy(rows_v, out_hbm.at[pl.ds(base, _TOK_PER_W)])


def kernel(x, W_enc_c, W_enc_s, codebook, W_dec):
    xr = x.reshape(B, D_IN, H)
    cbT = codebook.T

    emb16, idx_a, part_a, embs_a = pl.pallas_call(
        _encode_kernel,
        grid=(HB_SC,),
        in_specs=[
            pl.BlockSpec((1, D_IN, H), lambda b: (b, 0, 0)),
            pl.BlockSpec((D_IN, D_C), lambda b: (0, 0)),
            pl.BlockSpec((D_IN, D_S), lambda b: (0, 0)),
            pl.BlockSpec((D_C, K), lambda b: (0, 0)),
        ],
        out_specs=[
            pl.BlockSpec((1, H, D_C), lambda b: (b, 0, 0)),
            pl.BlockSpec((1, H, 1), lambda b: (b, 0, 0)),
            pl.BlockSpec((HB_SC, 128), lambda b: (0, 0)),
            pl.BlockSpec((HB_SC, D_S), lambda b: (0, 0)),
        ],
        out_shape=[
            jax.ShapeDtypeStruct((B, H, D_C), jnp.float32),
            jax.ShapeDtypeStruct((HB_SC, H, 1), jnp.int32),
            jax.ShapeDtypeStruct((HB_SC, 128), jnp.float32),
            jax.ShapeDtypeStruct((HB_SC, D_S), jnp.float32),
        ],
    )(xr, W_enc_c, W_enc_s, cbT)

    qa = _sc_gather(codebook.reshape(K, 2, 128), idx_a.reshape(N_SC))

    emb16, idx_b, part_b, embs_b, quant16, rec16 = pl.pallas_call(
        _mono_kernel,
        grid=(HB_TC,),
        in_specs=[
            pl.BlockSpec((1, D_IN, H), lambda b: (b + HB_SC, 0, 0)),
            pl.BlockSpec((D_IN, D_C), lambda b: (0, 0)),
            pl.BlockSpec((D_IN, D_S), lambda b: (0, 0)),
            pl.BlockSpec((D_C, K), lambda b: (0, 0)),
            pl.BlockSpec((K, D_C), lambda b: (0, 0)),
            pl.BlockSpec((D_C + D_S, D_IN), lambda b: (0, 0)),
            _HBM,
        ],
        out_specs=[
            pl.BlockSpec((1, H, D_C), lambda b: (b + HB_SC, 0, 0)),
            pl.BlockSpec((1, H, 1), lambda b: (b, 0, 0)),
            pl.BlockSpec((HB_TC, 128), lambda b: (0, 0)),
            pl.BlockSpec((HB_TC, D_S), lambda b: (0, 0)),
            pl.BlockSpec((1, H, D_C), lambda b: (b + HB_SC, 0, 0)),
            pl.BlockSpec((1, D_IN, H), lambda b: (b + HB_SC, 0, 0)),
        ],
        out_shape=[
            jax.ShapeDtypeStruct((B, H, D_C), jnp.float32),
            jax.ShapeDtypeStruct((HB_TC, H, 1), jnp.int32),
            jax.ShapeDtypeStruct((HB_TC, 128), jnp.float32),
            jax.ShapeDtypeStruct((HB_TC, D_S), jnp.float32),
            jax.ShapeDtypeStruct((B, H, D_C), jnp.float32),
            jax.ShapeDtypeStruct((B, D_IN, H), jnp.float32),
        ],
        input_output_aliases={6: 0},
    )(xr, W_enc_c, W_enc_s, cbT, codebook, W_dec, emb16)

    quant16, rec16 = pl.pallas_call(
        _tail_kernel,
        grid=(HB_SC,),
        in_specs=[
            pl.BlockSpec((1, H, D_C), lambda b: (b, 0, 0)),
            pl.BlockSpec((D_C + D_S, D_IN), lambda b: (0, 0)),
            pl.BlockSpec((HB_SC, D_S), lambda b: (0, 0)),
            _HBM,
            _HBM,
        ],
        out_specs=[
            pl.BlockSpec((1, H, D_C), lambda b: (b, 0, 0)),
            pl.BlockSpec((1, D_IN, H), lambda b: (b, 0, 0)),
        ],
        out_shape=[
            jax.ShapeDtypeStruct((B, H, D_C), jnp.float32),
            jax.ShapeDtypeStruct((B, D_IN, H), jnp.float32),
        ],
        input_output_aliases={3: 0, 4: 1},
    )(qa.reshape(HB_SC, H, D_C), W_dec, embs_a, quant16, rec16)

    output = rec16.reshape(B, C, Wf, H)
    indices = jnp.concatenate([idx_a, idx_b], axis=0).reshape(B, H)
    commit_loss = ((jnp.sum(part_a[:, 0]) + jnp.sum(part_b[:, 0]))
                   / jnp.float32(N_TOK * D_C))
    emb_s = jnp.concatenate([embs_a, embs_b], axis=0)
    return (output, emb16, quant16, indices, commit_loss, emb_s)

# --- scband reference (transcript-rebuilt; emitter-appended) ---
"""Pipeline reference for scband-csae-34978213659219 (READ-ONLY COPY).

The authoritative reference and input builder live on the scoring server;
editing this copy changes nothing except your own understanding.
"""

import jax, jax.numpy as jnp
import numpy as np

B, C, Wf, H = 16, 4, 128, 512
D_C, D_S, K = 256, 64, 1024
D_IN = C * Wf

def setup_inputs(seed: int = 0) -> dict:
    key = jax.random.key(seed)
    ks = jax.random.split(key, 5)
    x = jax.random.normal(ks[0], (B, C, Wf, H), dtype=jnp.float32)
    W_enc_c = jax.random.normal(ks[1], (D_IN, D_C), dtype=jnp.float32) * 0.02
    W_enc_s = jax.random.normal(ks[2], (D_IN, D_S), dtype=jnp.float32) * 0.02
    codebook = jax.random.normal(ks[3], (K, D_C), dtype=jnp.float32)
    W_dec = jax.random.normal(ks[4], (D_C + D_S, D_IN), dtype=jnp.float32) * 0.02
    return {"x": x, "W_enc_c": W_enc_c, "W_enc_s": W_enc_s, "codebook": codebook, "W_dec": W_dec}

def reference(x, W_enc_c, W_enc_s, codebook, W_dec):
    b, c, wf, h = x.shape
    # Encoder: treat time axis H as sequence, flatten (C, W) features per step
    tokens = jnp.transpose(x, (0, 3, 1, 2)).reshape(b, h, c * wf)
    emb_c = tokens @ W_enc_c                              # [B, H, d_emb_c] content
    emb_s = jnp.mean(jnp.tanh(tokens @ W_enc_s), axis=1)  # [B, d_emb_s] style (global)
    # VectorQuantize: nearest-neighbor over codebook, straight-through, commitment loss
    flat = emb_c.reshape(-1, emb_c.shape[-1])             # [B*H, d_emb_c]
    d2 = (jnp.sum(flat * flat, axis=1, keepdims=True)
          - 2.0 * flat @ codebook.T
          + jnp.sum(codebook * codebook, axis=1)[None, :])  # [B*H, K]
    indices = jnp.argmin(d2, axis=1)                      # [B*H]
    q = jnp.take(codebook, indices, axis=0)               # gather [B*H, d_emb_c]
    q = q.reshape(emb_c.shape)
    indices = indices.reshape(b, h)
    # straight-through estimator (rotation_trick=False)
    quantized = emb_c + jax.lax.stop_gradient(q - emb_c)
    # commitment loss, commitment_weight=1
    commit_loss = jnp.mean((emb_c - jax.lax.stop_gradient(q)) ** 2)
    # Decoder: quantized content + broadcast style -> reconstruct
    style_b = jnp.broadcast_to(emb_s[:, None, :], (b, h, emb_s.shape[-1]))
    dec_in = jnp.concatenate([quantized, style_b], axis=-1)  # [B, H, d_c+d_s]
    rec = jnp.tanh(dec_in @ W_dec)                           # [B, H, C*W]
    output = jnp.transpose(rec.reshape(b, h, c, wf), (0, 2, 3, 1))  # [B, C, W, H]
    return (output, emb_c, quantized, indices, commit_loss, emb_s)

if __name__ == "__main__":
    import jax
    _d = setup_inputs()
    print(jax.jit(kernel)(*tuple(_d.values())))

</pallas_src>

<mosaic_0001>
#map = affine_map<(d0, d1) -> (0, 0, 0)>
#map1 = affine_map<(d0, d1) -> (0)>
module attributes {stable_mosaic.version = 14 : i64} {
  func.func @_sc_gather(%arg0: i32, %arg1: i32, %arg2: memref<1024x2x128xf32, #tpu.memory_space<hbm>>, %arg3: memref<2048xi32, #tpu.memory_space<hbm>>, %arg4: memref<2048x2x128xf32, #tpu.memory_space<hbm>>, %arg5: memref<64xi32, #tpu.memory_space<vmem>>, %arg6: memref<64x2x128xf32, #tpu.memory_space<vmem>>, %arg7: memref<!tpu.dma_semaphore, #tpu.memory_space<semaphore_mem>>) attributes {dimension_semantics = [#tpu.dimension_semantics<core_parallel>, #tpu.dimension_semantics<subcore_parallel>], iteration_bounds = array<i64: 2, 16>, scalar_prefetch = 0 : i64, scratch_operands = 3 : i64, tpu.core_type = #tpu.core_type<sc_vector_subcore>, window_params = [{transform_indices = #map}, {transform_indices = #map1}, {transform_indices = #map}]} {
    %mul3A = arith.constant 2 : i32
    %mul3A_0 = arith.muli %arg1, %mul3A : i32
    %add3A = arith.addi %mul3A_0, %arg0 : i32
    %mul3A_1 = arith.constant 64 : i32
    %mul3A_2 = arith.muli %add3A, %mul3A_1 : i32
    "tpu.region"() ({
      %run_scoped3A = tpu.sem_alloc : memref<!tpu.dma_semaphore, #tpu.memory_space<semaphore_mem>>
      %dma_start3A_161 = tpu.memref_slice %arg3[%mul3A_2] : memref<2048xi32, #tpu.memory_space<hbm>> -> memref<64xi32, #tpu.memory_space<hbm>>
      %dma_start3A_162 = tpu.memref_slice %arg3[%mul3A_2] : memref<2048xi32, #tpu.memory_space<hbm>> -> memref<64xi32, #tpu.memory_space<hbm>>
      tpu.enqueue_dma source(%dma_start3A_162 : memref<64xi32, #tpu.memory_space<hbm>>) target(%arg5 : memref<64xi32, #tpu.memory_space<vmem>>) target_semaphore(%run_scoped3A : memref<!tpu.dma_semaphore, #tpu.memory_space<semaphore_mem>>)
      %dma_wait3A_163 = tpu.memref_slice %arg3[%mul3A_2] : memref<2048xi32, #tpu.memory_space<hbm>> -> memref<64xi32, #tpu.memory_space<hbm>>
      %dma_wait3A_164 = tpu.memref_slice %arg3[%mul3A_2] : memref<2048xi32, #tpu.memory_space<hbm>> -> memref<64xi32, #tpu.memory_space<hbm>>
      tpu.wait_dma2 semaphore(%run_scoped3A : memref<!tpu.dma_semaphore, #tpu.memory_space<semaphore_mem>>) src(%dma_wait3A_164 : memref<64xi32, #tpu.memory_space<hbm>>) dst(%arg5 : memref<64xi32, #tpu.memory_space<vmem>>)
      tpu.yield
    }) : () -> ()
    %dma_start3A = arith.constant 0 : i32
    %dma_start3A_3 = arith.constant 0 : i32
    %dma_start3A_4 = arith.constant 0 : i32
    %dma_start3A_5 = tpu.memref_slice %arg6[%dma_start3A, %dma_start3A_3, %dma_start3A_4] : memref<64x2x128xf32, #tpu.memory_space<vmem>> -> memref<8x2x128xf32, #tpu.memory_space<vmem>>
    %dma_start3A_6 = arith.constant 0 : i32
    %dma_start3A_7 = tpu.memref_slice %arg5[%dma_start3A_6] : memref<64xi32, #tpu.memory_space<vmem>> -> memref<8xi32, #tpu.memory_space<vmem>>
    %dma_start3A_8 = arith.constant 0 : i32
    %dma_start3A_9 = arith.constant 0 : i32
    %dma_start3A_10 = arith.constant 0 : i32
    %dma_start3A_11 = tpu.memref_slice %arg2[%dma_start3A_8, %dma_start3A_9, %dma_start3A_10] : memref<1024x2x128xf32, #tpu.memory_space<hbm>> -> memref<1024x2x128xf32, #tpu.memory_space<hbm>>
    tpu.enqueue_indirect_dma source(%dma_start3A_11 : memref<1024x2x128xf32, #tpu.memory_space<hbm>>) target(%dma_start3A_5 : memref<8x2x128xf32, #tpu.memory_space<vmem>>) offsets(%dma_start3A_7 : memref<8xi32, #tpu.memory_space<vmem>>) semaphore(%arg7 : memref<!tpu.dma_semaphore, #tpu.memory_space<semaphore_mem>>)
    %dma_start3A_12 = arith.constant 8 : i32
    %dma_start3A_13 = arith.constant 0 : i32
    %dma_start3A_14 = arith.constant 0 : i32
    %dma_start3A_15 = tpu.memref_slice %arg6[%dma_start3A_12, %dma_start3A_13, %dma_start3A_14] : memref<64x2x128xf32, #tpu.memory_space<vmem>> -> memref<8x2x128xf32, #tpu.memory_space<vmem>>
    %dma_start3A_16 = arith.constant 8 : i32
    %dma_start3A_17 = tpu.memref_slice %arg5[%dma_start3A_16] : memref<64xi32, #tpu.memory_space<vmem>> -> memref<8xi32, #tpu.memory_space<vmem>>
    %dma_start3A_18 = arith.constant 0 : i32
    %dma_start3A_19 = arith.constant 0 : i32
    %dma_start3A_20 = arith.constant 0 : i32
    %dma_start3A_21 = tpu.memref_slice %arg2[%dma_start3A_18, %dma_start3A_19, %dma_start3A_20] : memref<1024x2x128xf32, #tpu.memory_space<hbm>> -> memref<1024x2x128xf32, #tpu.memory_space<hbm>>
    tpu.enqueue_indirect_dma source(%dma_start3A_21 : memref<1024x2x128xf32, #tpu.memory_space<hbm>>) target(%dma_start3A_15 : memref<8x2x128xf32, #tpu.memory_space<vmem>>) offsets(%dma_start3A_17 : memref<8xi32, #tpu.memory_space<vmem>>) semaphore(%arg7 : memref<!tpu.dma_semaphore, #tpu.memory_space<semaphore_mem>>)
    %dma_start3A_22 = arith.constant 16 : i32
    %dma_start3A_23 = arith.constant 0 : i32
    %dma_start3A_24 = arith.constant 0 : i32
    %dma_start3A_25 = tpu.memref_slice %arg6[%dma_start3A_22, %dma_start3A_23, %dma_start3A_24] : memref<64x2x128xf32, #tpu.memory_space<vmem>> -> memref<8x2x128xf32, #tpu.memory_space<vmem>>
    %dma_start3A_26 = arith.constant 16 : i32
    %dma_start3A_27 = tpu.memref_slice %arg5[%dma_start3A_26] : memref<64xi32, #tpu.memory_space<vmem>> -> memref<8xi32, #tpu.memory_space<vmem>>
    %dma_start3A_28 = arith.constant 0 : i32
    %dma_start3A_29 = arith.constant 0 : i32
    %dma_start3A_30 = arith.constant 0 : i32
    %dma_start3A_31 = tpu.memref_slice %arg2[%dma_start3A_28, %dma_start3A_29, %dma_start3A_30] : memref<1024x2x128xf32, #tpu.memory_space<hbm>> -> memref<1024x2x128xf32, #tpu.memory_space<hbm>>
    tpu.enqueue_indirect_dma source(%dma_start3A_31 : memref<1024x2x128xf32, #tpu.memory_space<hbm>>) target(%dma_start3A_25 : memref<8x2x128xf32, #tpu.memory_space<vmem>>) offsets(%dma_start3A_27 : memref<8xi32, #tpu.memory_space<vmem>>) semaphore(%arg7 : memref<!tpu.dma_semaphore, #tpu.memory_space<semaphore_mem>>)
    %dma_start3A_32 = arith.constant 24 : i32
    %dma_start3A_33 = arith.constant 0 : i32
    %dma_start3A_34 = arith.constant 0 : i32
    %dma_start3A_35 = tpu.memref_slice %arg6[%dma_start3A_32, %dma_start3A_33, %dma_start3A_34] : memref<64x2x128xf32, #tpu.memory_space<vmem>> -> memref<8x2x128xf32, #tpu.memory_space<vmem>>
    %dma_start3A_36 = arith.constant 24 : i32
    %dma_start3A_37 = tpu.memref_slice %arg5[%dma_start3A_36] : memref<64xi32, #tpu.memory_space<vmem>> -> memref<8xi32, #tpu.memory_space<vmem>>
    %dma_start3A_38 = arith.constant 0 : i32
    %dma_start3A_39 = arith.constant 0 : i32
    %dma_start3A_40 = arith.constant 0 : i32
    %dma_start3A_41 = tpu.memref_slice %arg2[%dma_start3A_38, %dma_start3A_39, %dma_start3A_40] : memref<1024x2x128xf32, #tpu.memory_space<hbm>> -> memref<1024x2x128xf32, #tpu.memory_space<hbm>>
    tpu.enqueue_indirect_dma source(%dma_start3A_41 : memref<1024x2x128xf32, #tpu.memory_space<hbm>>) target(%dma_start3A_35 : memref<8x2x128xf32, #tpu.memory_space<vmem>>) offsets(%dma_start3A_37 : memref<8xi32, #tpu.memory_space<vmem>>) semaphore(%arg7 : memref<!tpu.dma_semaphore, #tpu.memory_space<semaphore_mem>>)
    %dma_start3A_42 = arith.constant 32 : i32
    %dma_start3A_43 = arith.constant 0 : i32
    %dma_start3A_44 = arith.constant 0 : i32
    %dma_start3A_45 = tpu.memref_slice %arg6[%dma_start3A_42, %dma_start3A_43, %dma_start3A_44] : memref<64x2x128xf32, #tpu.memory_space<vmem>> -> memref<8x2x128xf32, #tpu.memory_space<vmem>>
    %dma_start3A_46 = arith.constant 32 : i32
    %dma_start3A_47 = tpu.memref_slice %arg5[%dma_start3A_46] : memref<64xi32, #tpu.memory_space<vmem>> -> memref<8xi32, #tpu.memory_space<vmem>>
    %dma_start3A_48 = arith.constant 0 : i32
    %dma_start3A_49 = arith.constant 0 : i32
    %dma_start3A_50 = arith.constant 0 : i32
    %dma_start3A_51 = tpu.memref_slice %arg2[%dma_start3A_48, %dma_start3A_49, %dma_start3A_50] : memref<1024x2x128xf32, #tpu.memory_space<hbm>> -> memref<1024x2x128xf32, #tpu.memory_space<hbm>>
    tpu.enqueue_indirect_dma source(%dma_start3A_51 : memref<1024x2x128xf32, #tpu.memory_space<hbm>>) target(%dma_start3A_45 : memref<8x2x128xf32, #tpu.memory_space<vmem>>) offsets(%dma_start3A_47 : memref<8xi32, #tpu.memory_space<vmem>>) semaphore(%arg7 : memref<!tpu.dma_semaphore, #tpu.memory_space<semaphore_mem>>)
    %dma_start3A_52 = arith.constant 40 : i32
    %dma_start3A_53 = arith.constant 0 : i32
    %dma_start3A_54 = arith.constant 0 : i32
    %dma_start3A_55 = tpu.memref_slice %arg6[%dma_start3A_52, %dma_start3A_53, %dma_start3A_54] : memref<64x2x128xf32, #tpu.memory_space<vmem>> -> memref<8x2x128xf32, #tpu.memory_space<vmem>>
    %dma_start3A_56 = arith.constant 40 : i32
    %dma_start3A_57 = tpu.memref_slice %arg5[%dma_start3A_56] : memref<64xi32, #tpu.memory_space<vmem>> -> memref<8xi32, #tpu.memory_space<vmem>>
    %dma_start3A_58 = arith.constant 0 : i32
    %dma_start3A_59 = arith.constant 0 : i32
    %dma_start3A_60 = arith.constant 0 : i32
    %dma_start3A_61 = tpu.memref_slice %arg2[%dma_start3A_58, %dma_start3A_59, %dma_start3A_60] : memref<1024x2x128xf32, #tpu.memory_space<hbm>> -> memref<1024x2x128xf32, #tpu.memory_space<hbm>>
    tpu.enqueue_indirect_dma source(%dma_start3A_61 : memref<1024x2x128xf32, #tpu.memory_space<hbm>>) target(%dma_start3A_55 : memref<8x2x128xf32, #tpu.memory_space<vmem>>) offsets(%dma_start3A_57 : memref<8xi32, #tpu.memory_space<vmem>>) semaphore(%arg7 : memref<!tpu.dma_semaphore, #tpu.memory_space<semaphore_mem>>)
    %dma_start3A_62 = arith.constant 48 : i32
    %dma_start3A_63 = arith.constant 0 : i32
    %dma_start3A_64 = arith.constant 0 : i32
    %dma_start3A_65 = tpu.memref_slice %arg6[%dma_start3A_62, %dma_start3A_63, %dma_start3A_64] : memref<64x2x128xf32, #tpu.memory_space<vmem>> -> memref<8x2x128xf32, #tpu.memory_space<vmem>>
    %dma_start3A_66 = arith.constant 48 : i32
    %dma_start3A_67 = tpu.memref_slice %arg5[%dma_start3A_66] : memref<64xi32, #tpu.memory_space<vmem>> -> memref<8xi32, #tpu.memory_space<vmem>>
    %dma_start3A_68 = arith.constant 0 : i32
    %dma_start3A_69 = arith.constant 0 : i32
    %dma_start3A_70 = arith.constant 0 : i32
    %dma_start3A_71 = tpu.memref_slice %arg2[%dma_start3A_68, %dma_start3A_69, %dma_start3A_70] : memref<1024x2x128xf32, #tpu.memory_space<hbm>> -> memref<1024x2x128xf32, #tpu.memory_space<hbm>>
    tpu.enqueue_indirect_dma source(%dma_start3A_71 : memref<1024x2x128xf32, #tpu.memory_space<hbm>>) target(%dma_start3A_65 : memref<8x2x128xf32, #tpu.memory_space<vmem>>) offsets(%dma_start3A_67 : memref<8xi32, #tpu.memory_space<vmem>>) semaphore(%arg7 : memref<!tpu.dma_semaphore, #tpu.memory_space<semaphore_mem>>)
    %dma_start3A_72 = arith.constant 56 : i32
    %dma_start3A_73 = arith.constant 0 : i32
    %dma_start3A_74 = arith.constant 0 : i32
    %dma_start3A_75 = tpu.memref_slice %arg6[%dma_start3A_72, %dma_start3A_73, %dma_start3A_74] : memref<64x2x128xf32, #tpu.memory_space<vmem>> -> memref<8x2x128xf32, #tpu.memory_space<vmem>>
    %dma_start3A_76 = arith.constant 56 : i32
    %dma_start3A_77 = tpu.memref_slice %arg5[%dma_start3A_76] : memref<64xi32, #tpu.memory_space<vmem>> -> memref<8xi32, #tpu.memory_space<vmem>>
    %dma_start3A_78 = arith.constant 0 : i32
    %dma_start3A_79 = arith.constant 0 : i32
    %dma_start3A_80 = arith.constant 0 : i32
    %dma_start3A_81 = tpu.memref_slice %arg2[%dma_start3A_78, %dma_start3A_79, %dma_start3A_80] : memref<1024x2x128xf32, #tpu.memory_space<hbm>> -> memref<1024x2x128xf32, #tpu.memory_space<hbm>>
    tpu.enqueue_indirect_dma source(%dma_start3A_81 : memref<1024x2x128xf32, #tpu.memory_space<hbm>>) target(%dma_start3A_75 : memref<8x2x128xf32, #tpu.memory_space<vmem>>) offsets(%dma_start3A_77 : memref<8xi32, #tpu.memory_space<vmem>>) semaphore(%arg7 : memref<!tpu.dma_semaphore, #tpu.memory_space<semaphore_mem>>)
    %dma_wait3A = arith.constant 0 : i32
    %dma_wait3A_82 = arith.constant 0 : i32
    %dma_wait3A_83 = arith.constant 0 : i32
    %dma_wait3A_84 = tpu.memref_slice %arg6[%dma_wait3A, %dma_wait3A_82, %dma_wait3A_83] : memref<64x2x128xf32, #tpu.memory_space<vmem>> -> memref<8x2x128xf32, #tpu.memory_space<vmem>>
    %dma_wait3A_85 = arith.constant 0 : i32
    %dma_wait3A_86 = tpu.memref_slice %arg5[%dma_wait3A_85] : memref<64xi32, #tpu.memory_space<vmem>> -> memref<8xi32, #tpu.memory_space<vmem>>
    %dma_wait3A_87 = arith.constant 0 : i32
    %dma_wait3A_88 = arith.constant 0 : i32
    %dma_wait3A_89 = arith.constant 0 : i32
    %dma_wait3A_90 = tpu.memref_slice %arg2[%dma_wait3A_87, %dma_wait3A_88, %dma_wait3A_89] : memref<1024x2x128xf32, #tpu.memory_space<hbm>> -> memref<1024x2x128xf32, #tpu.memory_space<hbm>>
    tpu.wait_indirect_dma semaphore(%arg7 : memref<!tpu.dma_semaphore, #tpu.memory_space<semaphore_mem>>) src(%dma_wait3A_90 : memref<1024x2x128xf32, #tpu.memory_space<hbm>>) dst(%dma_wait3A_84 : memref<8x2x128xf32, #tpu.memory_space<vmem>>)
    %dma_wait3A_91 = arith.constant 8 : i32
    %dma_wait3A_92 = arith.constant 0 : i32
    %dma_wait3A_93 = arith.constant 0 : i32
    %dma_wait3A_94 = tpu.memref_slice %arg6[%dma_wait3A_91, %dma_wait3A_92, %dma_wait3A_93] : memref<64x2x128xf32, #tpu.memory_space<vmem>> -> memref<8x2x128xf32, #tpu.memory_space<vmem>>
    %dma_wait3A_95 = arith.constant 8 : i32
    %dma_wait3A_96 = tpu.memref_slice %arg5[%dma_wait3A_95] : memref<64xi32, #tpu.memory_space<vmem>> -> memref<8xi32, #tpu.memory_space<vmem>>
    %dma_wait3A_97 = arith.constant 0 : i32
    %dma_wait3A_98 = arith.constant 0 : i32
    %dma_wait3A_99 = arith.constant 0 : i32
    %dma_wait3A_100 = tpu.memref_slice %arg2[%dma_wait3A_97, %dma_wait3A_98, %dma_wait3A_99] : memref<1024x2x128xf32, #tpu.memory_space<hbm>> -> memref<1024x2x128xf32, #tpu.memory_space<hbm>>
    tpu.wait_indirect_dma semaphore(%arg7 : memref<!tpu.dma_semaphore, #tpu.memory_space<semaphore_mem>>) src(%dma_wait3A_100 : memref<1024x2x128xf32, #tpu.memory_space<hbm>>) dst(%dma_wait3A_94 : memref<8x2x128xf32, #tpu.memory_space<vmem>>)
    %dma_wait3A_101 = arith.constant 16 : i32
    %dma_wait3A_102 = arith.constant 0 : i32
    %dma_wait3A_103 = arith.constant 0 : i32
    %dma_wait3A_104 = tpu.memref_slice %arg6[%dma_wait3A_101, %dma_wait3A_102, %dma_wait3A_103] : memref<64x2x128xf32, #tpu.memory_space<vmem>> -> memref<8x2x128xf32, #tpu.memory_space<vmem>>
    %dma_wait3A_105 = arith.constant 16 : i32
    %dma_wait3A_106 = tpu.memref_slice %arg5[%dma_wait3A_105] : memref<64xi32, #tpu.memory_space<vmem>> -> memref<8xi32, #tpu.memory_space<vmem>>
    %dma_wait3A_107 = arith.constant 0 : i32
    %dma_wait3A_108 = arith.constant 0 : i32
    %dma_wait3A_109 = arith.constant 0 : i32
    %dma_wait3A_110 = tpu.memref_slice %arg2[%dma_wait3A_107, %dma_wait3A_108, %dma_wait3A_109] : memref<1024x2x128xf32, #tpu.memory_space<hbm>> -> memref<1024x2x128xf32, #tpu.memory_space<hbm>>
    tpu.wait_indirect_dma semaphore(%arg7 : memref<!tpu.dma_semaphore, #tpu.memory_space<semaphore_mem>>) src(%dma_wait3A_110 : memref<1024x2x128xf32, #tpu.memory_space<hbm>>) dst(%dma_wait3A_104 : memref<8x2x128xf32, #tpu.memory_space<vmem>>)
    %dma_wait3A_111 = arith.constant 24 : i32
    %dma_wait3A_112 = arith.constant 0 : i32
    %dma_wait3A_113 = arith.constant 0 : i32
    %dma_wait3A_114 = tpu.memref_slice %arg6[%dma_wait3A_111, %dma_wait3A_112, %dma_wait3A_113] : memref<64x2x128xf32, #tpu.memory_space<vmem>> -> memref<8x2x128xf32, #tpu.memory_space<vmem>>
    %dma_wait3A_115 = arith.constant 24 : i32
    %dma_wait3A_116 = tpu.memref_slice %arg5[%dma_wait3A_115] : memref<64xi32, #tpu.memory_space<vmem>> -> memref<8xi32, #tpu.memory_space<vmem>>
    %dma_wait3A_117 = arith.constant 0 : i32
    %dma_wait3A_118 = arith.constant 0 : i32
    %dma_wait3A_119 = arith.constant 0 : i32
    %dma_wait3A_120 = tpu.memref_slice %arg2[%dma_wait3A_117, %dma_wait3A_118, %dma_wait3A_119] : memref<1024x2x128xf32, #tpu.memory_space<hbm>> -> memref<1024x2x128xf32, #tpu.memory_space<hbm>>
    tpu.wait_indirect_dma semaphore(%arg7 : memref<!tpu.dma_semaphore, #tpu.memory_space<semaphore_mem>>) src(%dma_wait3A_120 : memref<1024x2x128xf32, #tpu.memory_space<hbm>>) dst(%dma_wait3A_114 : memref<8x2x128xf32, #tpu.memory_space<vmem>>)
    %dma_wait3A_121 = arith.constant 32 : i32
    %dma_wait3A_122 = arith.constant 0 : i32
    %dma_wait3A_123 = arith.constant 0 : i32
    %dma_wait3A_124 = tpu.memref_slice %arg6[%dma_wait3A_121, %dma_wait3A_122, %dma_wait3A_123] : memref<64x2x128xf32, #tpu.memory_space<vmem>> -> memref<8x2x128xf32, #tpu.memory_space<vmem>>
    %dma_wait3A_125 = arith.constant 32 : i32
    %dma_wait3A_126 = tpu.memref_slice %arg5[%dma_wait3A_125] : memref<64xi32, #tpu.memory_space<vmem>> -> memref<8xi32, #tpu.memory_space<vmem>>
    %dma_wait3A_127 = arith.constant 0 : i32
    %dma_wait3A_128 = arith.constant 0 : i32
    %dma_wait3A_129 = arith.constant 0 : i32
    %dma_wait3A_130 = tpu.memref_slice %arg2[%dma_wait3A_127, %dma_wait3A_128, %dma_wait3A_129] : memref<1024x2x128xf32, #tpu.memory_space<hbm>> -> memref<1024x2x128xf32, #tpu.memory_space<hbm>>
    tpu.wait_indirect_dma semaphore(%arg7 : memref<!tpu.dma_semaphore, #tpu.memory_space<semaphore_mem>>) src(%dma_wait3A_130 : memref<1024x2x128xf32, #tpu.memory_space<hbm>>) dst(%dma_wait3A_124 : memref<8x2x128xf32, #tpu.memory_space<vmem>>)
    %dma_wait3A_131 = arith.constant 40 : i32
    %dma_wait3A_132 = arith.constant 0 : i32
    %dma_wait3A_133 = arith.constant 0 : i32
    %dma_wait3A_134 = tpu.memref_slice %arg6[%dma_wait3A_131, %dma_wait3A_132, %dma_wait3A_133] : memref<64x2x128xf32, #tpu.memory_space<vmem>> -> memref<8x2x128xf32, #tpu.memory_space<vmem>>
    %dma_wait3A_135 = arith.constant 40 : i32
    %dma_wait3A_136 = tpu.memref_slice %arg5[%dma_wait3A_135] : memref<64xi32, #tpu.memory_space<vmem>> -> memref<8xi32, #tpu.memory_space<vmem>>
    %dma_wait3A_137 = arith.constant 0 : i32
    %dma_wait3A_138 = arith.constant 0 : i32
    %dma_wait3A_139 = arith.constant 0 : i32
    %dma_wait3A_140 = tpu.memref_slice %arg2[%dma_wait3A_137, %dma_wait3A_138, %dma_wait3A_139] : memref<1024x2x128xf32, #tpu.memory_space<hbm>> -> memref<1024x2x128xf32, #tpu.memory_space<hbm>>
    tpu.wait_indirect_dma semaphore(%arg7 : memref<!tpu.dma_semaphore, #tpu.memory_space<semaphore_mem>>) src(%dma_wait3A_140 : memref<1024x2x128xf32, #tpu.memory_space<hbm>>) dst(%dma_wait3A_134 : memref<8x2x128xf32, #tpu.memory_space<vmem>>)
    %dma_wait3A_141 = arith.constant 48 : i32
    %dma_wait3A_142 = arith.constant 0 : i32
    %dma_wait3A_143 = arith.constant 0 : i32
    %dma_wait3A_144 = tpu.memref_slice %arg6[%dma_wait3A_141, %dma_wait3A_142, %dma_wait3A_143] : memref<64x2x128xf32, #tpu.memory_space<vmem>> -> memref<8x2x128xf32, #tpu.memory_space<vmem>>
    %dma_wait3A_145 = arith.constant 48 : i32
    %dma_wait3A_146 = tpu.memref_slice %arg5[%dma_wait3A_145] : memref<64xi32, #tpu.memory_space<vmem>> -> memref<8xi32, #tpu.memory_space<vmem>>
    %dma_wait3A_147 = arith.constant 0 : i32
    %dma_wait3A_148 = arith.constant 0 : i32
    %dma_wait3A_149 = arith.constant 0 : i32
    %dma_wait3A_150 = tpu.memref_slice %arg2[%dma_wait3A_147, %dma_wait3A_148, %dma_wait3A_149] : memref<1024x2x128xf32, #tpu.memory_space<hbm>> -> memref<1024x2x128xf32, #tpu.memory_space<hbm>>
    tpu.wait_indirect_dma semaphore(%arg7 : memref<!tpu.dma_semaphore, #tpu.memory_space<semaphore_mem>>) src(%dma_wait3A_150 : memref<1024x2x128xf32, #tpu.memory_space<hbm>>) dst(%dma_wait3A_144 : memref<8x2x128xf32, #tpu.memory_space<vmem>>)
    %dma_wait3A_151 = arith.constant 56 : i32
    %dma_wait3A_152 = arith.constant 0 : i32
    %dma_wait3A_153 = arith.constant 0 : i32
    %dma_wait3A_154 = tpu.memref_slice %arg6[%dma_wait3A_151, %dma_wait3A_152, %dma_wait3A_153] : memref<64x2x128xf32, #tpu.memory_space<vmem>> -> memref<8x2x128xf32, #tpu.memory_space<vmem>>
    %dma_wait3A_155 = arith.constant 56 : i32
    %dma_wait3A_156 = tpu.memref_slice %arg5[%dma_wait3A_155] : memref<64xi32, #tpu.memory_space<vmem>> -> memref<8xi32, #tpu.memory_space<vmem>>
    %dma_wait3A_157 = arith.constant 0 : i32
    %dma_wait3A_158 = arith.constant 0 : i32
    %dma_wait3A_159 = arith.constant 0 : i32
    %dma_wait3A_160 = tpu.memref_slice %arg2[%dma_wait3A_157, %dma_wait3A_158, %dma_wait3A_159] : memref<1024x2x128xf32, #tpu.memory_space<hbm>> -> memref<1024x2x128xf32, #tpu.memory_space<hbm>>
    tpu.wait_indirect_dma semaphore(%arg7 : memref<!tpu.dma_semaphore, #tpu.memory_space<semaphore_mem>>) src(%dma_wait3A_160 : memref<1024x2x128xf32, #tpu.memory_space<hbm>>) dst(%dma_wait3A_154 : memref<8x2x128xf32, #tpu.memory_space<vmem>>)
    "tpu.region"() ({
      %run_scoped3A = tpu.sem_alloc : memref<!tpu.dma_semaphore, #tpu.memory_space<semaphore_mem>>
      %dma_start3A_161 = arith.constant 0 : i32
      %dma_start3A_162 = arith.constant 0 : i32
      %dma_start3A_163 = tpu.memref_slice %arg4[%mul3A_2, %dma_start3A_161, %dma_start3A_162] : memref<2048x2x128xf32, #tpu.memory_space<hbm>> -> memref<64x2x128xf32, #tpu.memory_space<hbm>>
      %dma_start3A_164 = arith.constant 0 : i32
      %dma_start3A_165 = arith.constant 0 : i32
      %dma_start3A_166 = tpu.memref_slice %arg4[%mul3A_2, %dma_start3A_164, %dma_start3A_165] : memref<2048x2x128xf32, #tpu.memory_space<hbm>> -> memref<64x2x128xf32, #tpu.memory_space<hbm>>
      tpu.enqueue_dma source(%arg6 : memref<64x2x128xf32, #tpu.memory_space<vmem>>) target(%dma_start3A_166 : memref<64x2x128xf32, #tpu.memory_space<hbm>>) target_semaphore(%run_scoped3A : memref<!tpu.dma_semaphore, #tpu.memory_space<semaphore_mem>>)
      %dma_wait3A_167 = arith.constant 0 : i32
      %dma_wait3A_168 = arith.constant 0 : i32
      %dma_wait3A_169 = tpu.memref_slice %arg4[%mul3A_2, %dma_wait3A_167, %dma_wait3A_168] : memref<2048x2x128xf32, #tpu.memory_space<hbm>> -> memref<64x2x128xf32, #tpu.memory_space<hbm>>
      %dma_wait3A_170 = arith.constant 0 : i32
      %dma_wait3A_171 = arith.constant 0 : i32
      %dma_wait3A_172 = tpu.memref_slice %arg4[%mul3A_2, %dma_wait3A_170, %dma_wait3A_171] : memref<2048x2x128xf32, #tpu.memory_space<hbm>> -> memref<64x2x128xf32, #tpu.memory_space<hbm>>
      tpu.wait_dma2 semaphore(%run_scoped3A : memref<!tpu.dma_semaphore, #tpu.memory_space<semaphore_mem>>) src(%arg6 : memref<64x2x128xf32, #tpu.memory_space<vmem>>) dst(%dma_wait3A_172 : memref<64x2x128xf32, #tpu.memory_space<hbm>>)
      tpu.yield
    }) : () -> ()
    return
  }
}

module attributes {stable_mosaic.version = 14 : i64} {
  func.func @_encode_kernel(%arg0: i32, %arg1: memref<1x512x512xf32, #tpu.memory_space<vmem>>, %arg2: memref<512x256xf32, #tpu.memory_space<vmem>>, %arg3: memref<512x64xf32, #tpu.memory_space<vmem>>, %arg4: memref<256x1024xf32, #tpu.memory_space<vmem>>, %arg5: memref<1x512x256xf32, #tpu.memory_space<vmem>>, %arg6: memref<1x512x1xi32, #tpu.memory_space<vmem>>, %arg7: memref<4x128xf32, #tpu.memory_space<vmem>>, %arg8: memref<4x64xf32, #tpu.memory_space<vmem>>) attributes {dimension_semantics = [#tpu.dimension_semantics<arbitrary>], iteration_bounds = array<i64: 4>, scalar_prefetch = 0 : i64, scratch_operands = 0 : i64, tpu.core_type = #tpu.core_type<tc>, window_params = [{transform_indices = @transform_0, window_bounds = array<i64: 1, 512, 512>}, {pipeline_mode = #tpu.pipeline_mode<synchronous>, transform_indices = @transform_1, window_bounds = array<i64: 512, 256>}, {pipeline_mode = #tpu.pipeline_mode<synchronous>, transform_indices = @transform_2, window_bounds = array<i64: 512, 64>}, {pipeline_mode = #tpu.pipeline_mode<synchronous>, transform_indices = @transform_3, window_bounds = array<i64: 256, 1024>}, {transform_indices = @transform_4, window_bounds = array<i64: 1, 512, 256>}, {transform_indices = @transform_5, window_bounds = array<i64: 1, 512, 1>}, {pipeline_mode = #tpu.pipeline_mode<synchronous>, transform_indices = @transform_6, window_bounds = array<i64: 4, 128>}, {pipeline_mode = #tpu.pipeline_mode<synchronous>, transform_indices = @transform_7, window_bounds = array<i64: 4, 64>}]} {
    %get3A = arith.constant 0 : index
    %get3A_0 = arith.constant 0 : index
    %get3A_1 = arith.constant 0 : index
    %get3A_2 = vector.load %arg1[%get3A, %get3A_0, %get3A_1] : memref<1x512x512xf32, #tpu.memory_space<vmem>>, vector<1x512x512xf32>
    %get3A_3 = vector.shape_cast %get3A_2 : vector<1x512x512xf32> to vector<512x512xf32>
    %get3A_4 = arith.constant 0 : index
    %get3A_5 = arith.constant 0 : index
    %get3A_6 = vector.load %arg2[%get3A_4, %get3A_5] : memref<512x256xf32, #tpu.memory_space<vmem>>, vector<512x256xf32>
    %get3A_7 = arith.constant 0 : index
    %get3A_8 = arith.constant 0 : index
    %get3A_9 = vector.load %arg3[%get3A_7, %get3A_8] : memref<512x64xf32, #tpu.memory_space<vmem>>, vector<512x64xf32>
    %get3A_10 = arith.constant 0 : index
    %get3A_11 = arith.constant 0 : index
    %get3A_12 = vector.load %arg4[%get3A_10, %get3A_11] : memref<256x1024xf32, #tpu.memory_space<vmem>>, vector<256x1024xf32>
    %dot_general3A = arith.constant dense<0.000000e+00> : vector<512x256xf32>
    %dot_general3A_13 = tpu.matmul %get3A_3, %get3A_6, %dot_general3A {dimension_numbers = #tpu.dot_dimension_numbers<[0], [0], [1], [1], [0, 1, 1, 1], [], []>, transpose_lhs_hint = false} : vector<512x512xf32>, vector<512x256xf32>, vector<512x256xf32> -> vector<512x256xf32>
    %dot_general3A_14 = arith.constant dense<0.000000e+00> : vector<512x64xf32>
    %dot_general3A_15 = tpu.matmul %get3A_3, %get3A_9, %dot_general3A_14 {dimension_numbers = #tpu.dot_dimension_numbers<[0], [0], [1], [1], [0, 1, 1, 1], [], []>, transpose_lhs_hint = false} : vector<512x512xf32>, vector<512x64xf32>, vector<512x64xf32> -> vector<512x64xf32>
    %tanh3A = math.tanh %dot_general3A_15 : vector<512x64xf32>
    %reduce_sum3A = arith.constant dense<0.000000e+00> : vector<64xf32>
    %reduce_sum3A_16 = vector.multi_reduction <add>, %tanh3A, %reduce_sum3A [0] : vector<512x64xf32> to vector<64xf32>
    %broadcast_in_dim3A = vector.shape_cast %reduce_sum3A_16 : vector<64xf32> to vector<1x64xf32>
    %div3A = arith.constant 5.120000e+02 : f32
    %div3A_17 = vector.broadcast %div3A : f32 to vector<1x64xf32>
    %div3A_18 = arith.divf %broadcast_in_dim3A, %div3A_17 : vector<1x64xf32>
    %dot_general3A_19 = arith.constant dense<0.000000e+00> : vector<512x1024xf32>
    %dot_general3A_20 = tpu.matmul %dot_general3A_13, %get3A_12, %dot_general3A_19 {dimension_numbers = #tpu.dot_dimension_numbers<[1], [0], [0], [1], [0, 0, 1, 1], [], []>, transpose_lhs_hint = false} : vector<512x256xf32>, vector<256x1024xf32>, vector<512x1024xf32> -> vector<512x1024xf32>
    %mul3A = arith.mulf %dot_general3A_13, %dot_general3A_13 : vector<512x256xf32>
    %reduce_sum3A_21 = arith.constant dense<0.000000e+00> : vector<512xf32>
    %reduce_sum3A_22 = vector.multi_reduction <add>, %mul3A, %reduce_sum3A_21 [1] : vector<512x256xf32> to vector<512xf32>
    %broadcast_in_dim3A_23 = vector.shape_cast %reduce_sum3A_22 : vector<512xf32> to vector<512x1xf32>
    %mul3A_24 = arith.mulf %get3A_12, %get3A_12 : vector<256x1024xf32>
    %reduce_sum3A_25 = arith.constant dense<0.000000e+00> : vector<1024xf32>
    %reduce_sum3A_26 = vector.multi_reduction <add>, %mul3A_24, %reduce_sum3A_25 [0] : vector<256x1024xf32> to vector<1024xf32>
    %broadcast_in_dim3A_27 = vector.shape_cast %reduce_sum3A_26 : vector<1024xf32> to vector<1x1024xf32>
    %mul3A_28 = arith.constant 2.000000e+00 : f32
    %mul3A_29 = vector.broadcast %mul3A_28 : f32 to vector<512x1024xf32>
    %mul3A_30 = arith.mulf %mul3A_29, %dot_general3A_20 : vector<512x1024xf32>
    %sub3A = vector.broadcast %broadcast_in_dim3A_23 : vector<512x1xf32> to vector<512x1024xf32>
    %sub3A_31 = arith.subf %sub3A, %mul3A_30 : vector<512x1024xf32>
    %add3A = vector.broadcast %broadcast_in_dim3A_27 : vector<1x1024xf32> to vector<512x1024xf32>
    %add3A_32 = arith.addf %sub3A_31, %add3A : vector<512x1024xf32>
    %reduce_min3A = arith.constant dense<0x7F800000> : vector<512xf32>
    %reduce_min3A_33 = vector.multi_reduction <minimumf>, %add3A_32, %reduce_min3A [1] : vector<512x1024xf32> to vector<512xf32>
    %broadcast_in_dim3A_34 = vector.shape_cast %reduce_min3A_33 : vector<512xf32> to vector<512x1xf32>
    %iota3A = tpu.iota {dimensions = array<i32: 1>} : vector<512x1024xi32>
    %eq3A = vector.broadcast %broadcast_in_dim3A_34 : vector<512x1xf32> to vector<512x1024xf32>
    %eq3A_35 = arith.cmpf oeq, %add3A_32, %eq3A : vector<512x1024xf32>
    %jit3A = arith.constant 1024 : i32
    %broadcast_in_dim3A_36 = vector.broadcast %jit3A : i32 to vector<512x1024xi32>
    %select_n3A = arith.select %eq3A_35, %iota3A, %broadcast_in_dim3A_36 : vector<512x1024xi1>, vector<512x1024xi32>
    %reduce_min3A_37 = arith.constant dense<2147483647> : vector<512xi32>
    %reduce_min3A_38 = vector.multi_reduction <minsi>, %select_n3A, %reduce_min3A_37 [1] : vector<512x1024xi32> to vector<512xi32>
    %broadcast_in_dim3A_39 = vector.shape_cast %reduce_min3A_38 : vector<512xi32> to vector<512x1xi32>
    %swap3A = arith.constant 0 : index
    %swap3A_40 = arith.constant 0 : index
    %swap3A_41 = arith.constant 0 : index
    %swap3A_42 = vector.load %arg5[%swap3A, %swap3A_40, %swap3A_41] : memref<1x512x256xf32, #tpu.memory_space<vmem>>, vector<1x512x256xf32>
    %swap3A_43 = vector.shape_cast %swap3A_42 : vector<1x512x256xf32> to vector<512x256xf32>
    %swap3A_44 = vector.shape_cast %dot_general3A_13 : vector<512x256xf32> to vector<1x512x256xf32>
    tpu.vector_store %arg5[%swap3A, %swap3A_40, %swap3A_41], %swap3A_44 {strides = array<i32>} : memref<1x512x256xf32, #tpu.memory_space<vmem>>, vector<1x512x256xf32>,
    %swap3A_45 = arith.constant 0 : index
    %swap3A_46 = arith.constant 0 : index
    %swap3A_47 = arith.constant 0 : index
    %swap3A_48 = vector.load %arg6[%swap3A_45, %swap3A_46, %swap3A_47] : memref<1x512x1xi32, #tpu.memory_space<vmem>>, vector<1x512x1xi32>
    %swap3A_49 = vector.shape_cast %swap3A_48 : vector<1x512x1xi32> to vector<512x1xi32>
    %swap3A_50 = vector.shape_cast %broadcast_in_dim3A_39 : vector<512x1xi32> to vector<1x512x1xi32>
    tpu.vector_store %arg6[%swap3A_45, %swap3A_46, %swap3A_47], %swap3A_50 {strides = array<i32>} : memref<1x512x1xi32, #tpu.memory_space<vmem>>, vector<1x512x1xi32>,
    %swap3A_51 = arith.index_cast %arg0 : i32 to index
    %swap3A_52 = arith.constant 0 : index
    %swap3A_53 = vector.load %arg8[%swap3A_51, %swap3A_52] : memref<4x64xf32, #tpu.memory_space<vmem>>, vector<1x64xf32>
    tpu.vector_store %arg8[%swap3A_51, %swap3A_52], %div3A_18 {strides = array<i32>} : memref<4x64xf32, #tpu.memory_space<vmem>>, vector<1x64xf32>,
    %reduce_sum3A_54 = vector.shape_cast %broadcast_in_dim3A_34 : vector<512x1xf32> to vector<1x512x1xf32>
    %reduce_sum3A_55 = arith.constant dense<0.000000e+00> : vector<1xf32>
    %reduce_sum3A_56 = vector.multi_reduction <add>, %reduce_sum3A_54, %reduce_sum3A_55 [1, 2] : vector<1x512x1xf32> to vector<1xf32>
    %reduce_sum3A_57 = vector.shape_cast %reduce_sum3A_56 : vector<1xf32> to vector<1x1x1xf32>
    %reduce_sum3A_58 = vector.extract %reduce_sum3A_57[0, 0, 0] : f32 from vector<1x1x1xf32>
    %broadcast_in_dim3A_59 = vector.broadcast %reduce_sum3A_58 : f32 to vector<1x128xf32>
    %swap3A_60 = arith.index_cast %arg0 : i32 to index
    %swap3A_61 = arith.constant 0 : index
    %swap3A_62 = vector.load %arg7[%swap3A_60, %swap3A_61] : memref<4x128xf32, #tpu.memory_space<vmem>>, vector<1x128xf32>
    tpu.vector_store %arg7[%swap3A_60, %swap3A_61], %broadcast_in_dim3A_59 {strides = array<i32>} : memref<4x128xf32, #tpu.memory_space<vmem>>, vector<1x128xf32>,
    return
  }
  func.func @transform_0(%arg0: i32) -> (i32, i32, i32) {
    %c0_i32 = arith.constant 0 : i32
    %c0_i32_0 = arith.constant 0 : i32
    %c0_i32_1 = arith.constant 0 : i32
    return %arg0, %c0_i32, %c0_i32_0 : i32, i32, i32
  }
  func.func @transform_1(%arg0: i32) -> (i32, i32) {
    %c0_i32 = arith.constant 0 : i32
    %c0_i32_0 = arith.constant 0 : i32
    %c0_i32_1 = arith.constant 0 : i32
    return %c0_i32, %c0_i32_0 : i32, i32
  }
  func.func @transform_2(%arg0: i32) -> (i32, i32) {
    %c0_i32 = arith.constant 0 : i32
    %c0_i32_0 = arith.constant 0 : i32
    %c0_i32_1 = arith.constant 0 : i32
    return %c0_i32, %c0_i32_0 : i32, i32
  }
  func.func @transform_3(%arg0: i32) -> (i32, i32) {
    %c0_i32 = arith.constant 0 : i32
    %c0_i32_0 = arith.constant 0 : i32
    %c0_i32_1 = arith.constant 0 : i32
    return %c0_i32, %c0_i32_0 : i32, i32
  }
  func.func @transform_4(%arg0: i32) -> (i32, i32, i32) {
    %c0_i32 = arith.constant 0 : i32
    %c0_i32_0 = arith.constant 0 : i32
    %c0_i32_1 = arith.constant 0 : i32
    return %arg0, %c0_i32, %c0_i32_0 : i32, i32, i32
  }
  func.func @transform_5(%arg0: i32) -> (i32, i32, i32) {
    %c0_i32 = arith.constant 0 : i32
    %c0_i32_0 = arith.constant 0 : i32
    %c0_i32_1 = arith.constant 0 : i32
    return %arg0, %c0_i32, %c0_i32_0 : i32, i32, i32
  }
  func.func @transform_6(%arg0: i32) -> (i32, i32) {
    %c0_i32 = arith.constant 0 : i32
    %c0_i32_0 = arith.constant 0 : i32
    %c0_i32_1 = arith.constant 0 : i32
    return %c0_i32, %c0_i32_0 : i32, i32
  }
  func.func @transform_7(%arg0: i32) -> (i32, i32) {
    %c0_i32 = arith.constant 0 : i32
    %c0_i32_0 = arith.constant 0 : i32
    %c0_i32_1 = arith.constant 0 : i32
    return %c0_i32, %c0_i32_0 : i32, i32
  }
}

module attributes {stable_mosaic.version = 14 : i64} {
  func.func @_mono_kernel(%arg0: i32, %arg1: memref<1x512x512xf32, #tpu.memory_space<vmem>>, %arg2: memref<512x256xf32, #tpu.memory_space<vmem>>, %arg3: memref<512x64xf32, #tpu.memory_space<vmem>>, %arg4: memref<256x1024xf32, #tpu.memory_space<vmem>>, %arg5: memref<1024x256xf32, #tpu.memory_space<vmem>>, %arg6: memref<320x512xf32, #tpu.memory_space<vmem>>, %arg7: memref<16x512x256xf32, #tpu.memory_space<hbm>>, %arg8: memref<1x512x256xf32, #tpu.memory_space<vmem>>, %arg9: memref<1x512x1xi32, #tpu.memory_space<vmem>>, %arg10: memref<12x128xf32, #tpu.memory_space<vmem>>, %arg11: memref<12x64xf32, #tpu.memory_space<vmem>>, %arg12: memref<1x512x256xf32, #tpu.memory_space<vmem>>, %arg13: memref<1x512x512xf32, #tpu.memory_space<vmem>>) attributes {dimension_semantics = [#tpu.dimension_semantics<arbitrary>], iteration_bounds = array<i64: 12>, scalar_prefetch = 0 : i64, scratch_operands = 0 : i64, tpu.core_type = #tpu.core_type<tc>, window_params = [{transform_indices = @transform_0, window_bounds = array<i64: 1, 512, 512>}, {pipeline_mode = #tpu.pipeline_mode<synchronous>, transform_indices = @transform_1, window_bounds = array<i64: 512, 256>}, {pipeline_mode = #tpu.pipeline_mode<synchronous>, transform_indices = @transform_2, window_bounds = array<i64: 512, 64>}, {pipeline_mode = #tpu.pipeline_mode<synchronous>, transform_indices = @transform_3, window_bounds = array<i64: 256, 1024>}, {pipeline_mode = #tpu.pipeline_mode<synchronous>, transform_indices = @transform_4, window_bounds = array<i64: 1024, 256>}, {pipeline_mode = #tpu.pipeline_mode<synchronous>, transform_indices = @transform_5, window_bounds = array<i64: 320, 512>}, {}, {transform_indices = @transform_7, window_bounds = array<i64: 1, 512, 256>}, {transform_indices = @transform_8, window_bounds = array<i64: 1, 512, 1>}, {pipeline_mode = #tpu.pipeline_mode<synchronous>, transform_indices = @transform_9, window_bounds = array<i64: 12, 128>}, {pipeline_mode = #tpu.pipeline_mode<synchronous>, transform_indices = @transform_10, window_bounds = array<i64: 12, 64>}, {transform_indices = @transform_11, window_bounds = array<i64: 1, 512, 256>}, {transform_indices = @transform_12, window_bounds = array<i64: 1, 512, 512>}]} {
    %get3A = arith.constant 0 : index
    %get3A_0 = arith.constant 0 : index
    %get3A_1 = arith.constant 0 : index
    %get3A_2 = vector.load %arg1[%get3A, %get3A_0, %get3A_1] : memref<1x512x512xf32, #tpu.memory_space<vmem>>, vector<1x512x512xf32>
    %get3A_3 = vector.shape_cast %get3A_2 : vector<1x512x512xf32> to vector<512x512xf32>
    %get3A_4 = arith.constant 0 : index
    %get3A_5 = arith.constant 0 : index
    %get3A_6 = vector.load %arg2[%get3A_4, %get3A_5] : memref<512x256xf32, #tpu.memory_space<vmem>>, vector<512x256xf32>
    %get3A_7 = arith.constant 0 : index
    %get3A_8 = arith.constant 0 : index
    %get3A_9 = vector.load %arg3[%get3A_7, %get3A_8] : memref<512x64xf32, #tpu.memory_space<vmem>>, vector<512x64xf32>
    %get3A_10 = arith.constant 0 : index
    %get3A_11 = arith.constant 0 : index
    %get3A_12 = vector.load %arg4[%get3A_10, %get3A_11] : memref<256x1024xf32, #tpu.memory_space<vmem>>, vector<256x1024xf32>
    %dot_general3A = arith.constant dense<0.000000e+00> : vector<512x256xf32>
    %dot_general3A_13 = tpu.matmul %get3A_3, %get3A_6, %dot_general3A {dimension_numbers = #tpu.dot_dimension_numbers<[0], [0], [1], [1], [0, 1, 1, 1], [], []>, transpose_lhs_hint = false} : vector<512x512xf32>, vector<512x256xf32>, vector<512x256xf32> -> vector<512x256xf32>
    %dot_general3A_14 = arith.constant dense<0.000000e+00> : vector<512x64xf32>
    %dot_general3A_15 = tpu.matmul %get3A_3, %get3A_9, %dot_general3A_14 {dimension_numbers = #tpu.dot_dimension_numbers<[0], [0], [1], [1], [0, 1, 1, 1], [], []>, transpose_lhs_hint = false} : vector<512x512xf32>, vector<512x64xf32>, vector<512x64xf32> -> vector<512x64xf32>
    %tanh3A = math.tanh %dot_general3A_15 : vector<512x64xf32>
    %reduce_sum3A = arith.constant dense<0.000000e+00> : vector<64xf32>
    %reduce_sum3A_16 = vector.multi_reduction <add>, %tanh3A, %reduce_sum3A [0] : vector<512x64xf32> to vector<64xf32>
    %broadcast_in_dim3A = vector.shape_cast %reduce_sum3A_16 : vector<64xf32> to vector<1x64xf32>
    %div3A = arith.constant 5.120000e+02 : f32
    %div3A_17 = vector.broadcast %div3A : f32 to vector<1x64xf32>
    %div3A_18 = arith.divf %broadcast_in_dim3A, %div3A_17 : vector<1x64xf32>
    %dot_general3A_19 = arith.constant dense<0.000000e+00> : vector<512x1024xf32>
    %dot_general3A_20 = tpu.matmul %dot_general3A_13, %get3A_12, %dot_general3A_19 {dimension_numbers = #tpu.dot_dimension_numbers<[1], [0], [0], [1], [0, 0, 1, 1], [], []>, transpose_lhs_hint = false} : vector<512x256xf32>, vector<256x1024xf32>, vector<512x1024xf32> -> vector<512x1024xf32>
    %mul3A = arith.mulf %dot_general3A_13, %dot_general3A_13 : vector<512x256xf32>
    %reduce_sum3A_21 = arith.constant dense<0.000000e+00> : vector<512xf32>
    %reduce_sum3A_22 = vector.multi_reduction <add>, %mul3A, %reduce_sum3A_21 [1] : vector<512x256xf32> to vector<512xf32>
    %broadcast_in_dim3A_23 = vector.shape_cast %reduce_sum3A_22 : vector<512xf32> to vector<512x1xf32>
    %mul3A_24 = arith.mulf %get3A_12, %get3A_12 : vector<256x1024xf32>
    %reduce_sum3A_25 = arith.constant dense<0.000000e+00> : vector<1024xf32>
    %reduce_sum3A_26 = vector.multi_reduction <add>, %mul3A_24, %reduce_sum3A_25 [0] : vector<256x1024xf32> to vector<1024xf32>
    %broadcast_in_dim3A_27 = vector.shape_cast %reduce_sum3A_26 : vector<1024xf32> to vector<1x1024xf32>
    %mul3A_28 = arith.constant 2.000000e+00 : f32
    %mul3A_29 = vector.broadcast %mul3A_28 : f32 to vector<512x1024xf32>
    %mul3A_30 = arith.mulf %mul3A_29, %dot_general3A_20 : vector<512x1024xf32>
    %sub3A = vector.broadcast %broadcast_in_dim3A_23 : vector<512x1xf32> to vector<512x1024xf32>
    %sub3A_31 = arith.subf %sub3A, %mul3A_30 : vector<512x1024xf32>
    %add3A = vector.broadcast %broadcast_in_dim3A_27 : vector<1x1024xf32> to vector<512x1024xf32>
    %add3A_32 = arith.addf %sub3A_31, %add3A : vector<512x1024xf32>
    %reduce_min3A = arith.constant dense<0x7F800000> : vector<512xf32>
    %reduce_min3A_33 = vector.multi_reduction <minimumf>, %add3A_32, %reduce_min3A [1] : vector<512x1024xf32> to vector<512xf32>
    %broadcast_in_dim3A_34 = vector.shape_cast %reduce_min3A_33 : vector<512xf32> to vector<512x1xf32>
    %iota3A = tpu.iota {dimensions = array<i32: 1>} : vector<512x1024xi32>
    %eq3A = vector.broadcast %broadcast_in_dim3A_34 : vector<512x1xf32> to vector<512x1024xf32>
    %eq3A_35 = arith.cmpf oeq, %add3A_32, %eq3A : vector<512x1024xf32>
    %jit3A = arith.constant 1024 : i32
    %broadcast_in_dim3A_36 = vector.broadcast %jit3A : i32 to vector<512x1024xi32>
    %select_n3A = arith.select %eq3A_35, %iota3A, %broadcast_in_dim3A_36 : vector<512x1024xi1>, vector<512x1024xi32>
    %reduce_min3A_37 = arith.constant dense<2147483647> : vector<512xi32>
    %reduce_min3A_38 = vector.multi_reduction <minsi>, %select_n3A, %reduce_min3A_37 [1] : vector<512x1024xi32> to vector<512xi32>
    %broadcast_in_dim3A_39 = vector.shape_cast %reduce_min3A_38 : vector<512xi32> to vector<512x1xi32>
    %swap3A = arith.constant 0 : index
    %swap3A_40 = arith.constant 0 : index
    %swap3A_41 = arith.constant 0 : index
    %swap3A_42 = vector.load %arg8[%swap3A, %swap3A_40, %swap3A_41] : memref<1x512x256xf32, #tpu.memory_space<vmem>>, vector<1x512x256xf32>
    %swap3A_43 = vector.shape_cast %swap3A_42 : vector<1x512x256xf32> to vector<512x256xf32>
    %swap3A_44 = vector.shape_cast %dot_general3A_13 : vector<512x256xf32> to vector<1x512x256xf32>
    tpu.vector_store %arg8[%swap3A, %swap3A_40, %swap3A_41], %swap3A_44 {strides = array<i32>} : memref<1x512x256xf32, #tpu.memory_space<vmem>>, vector<1x512x256xf32>,
    %swap3A_45 = arith.constant 0 : index
    %swap3A_46 = arith.constant 0 : index
    %swap3A_47 = arith.constant 0 : index
    %swap3A_48 = vector.load %arg9[%swap3A_45, %swap3A_46, %swap3A_47] : memref<1x512x1xi32, #tpu.memory_space<vmem>>, vector<1x512x1xi32>
    %swap3A_49 = vector.shape_cast %swap3A_48 : vector<1x512x1xi32> to vector<512x1xi32>
    %swap3A_50 = vector.shape_cast %broadcast_in_dim3A_39 : vector<512x1xi32> to vector<1x512x1xi32>
    tpu.vector_store %arg9[%swap3A_45, %swap3A_46, %swap3A_47], %swap3A_50 {strides = array<i32>} : memref<1x512x1xi32, #tpu.memory_space<vmem>>, vector<1x512x1xi32>,
    %swap3A_51 = arith.index_cast %arg0 : i32 to index
    %swap3A_52 = arith.constant 0 : index
    %swap3A_53 = vector.load %arg11[%swap3A_51, %swap3A_52] : memref<12x64xf32, #tpu.memory_space<vmem>>, vector<1x64xf32>
    tpu.vector_store %arg11[%swap3A_51, %swap3A_52], %div3A_18 {strides = array<i32>} : memref<12x64xf32, #tpu.memory_space<vmem>>, vector<1x64xf32>,
    %reduce_sum3A_54 = vector.shape_cast %broadcast_in_dim3A_34 : vector<512x1xf32> to vector<1x512x1xf32>
    %reduce_sum3A_55 = arith.constant dense<0.000000e+00> : vector<1xf32>
    %reduce_sum3A_56 = vector.multi_reduction <add>, %reduce_sum3A_54, %reduce_sum3A_55 [1, 2] : vector<1x512x1xf32> to vector<1xf32>
    %reduce_sum3A_57 = vector.shape_cast %reduce_sum3A_56 : vector<1xf32> to vector<1x1x1xf32>
    %reduce_sum3A_58 = vector.extract %reduce_sum3A_57[0, 0, 0] : f32 from vector<1x1x1xf32>
    %broadcast_in_dim3A_59 = vector.broadcast %reduce_sum3A_58 : f32 to vector<1x128xf32>
    %swap3A_60 = arith.index_cast %arg0 : i32 to index
    %swap3A_61 = arith.constant 0 : index
    %swap3A_62 = vector.load %arg10[%swap3A_60, %swap3A_61] : memref<12x128xf32, #tpu.memory_space<vmem>>, vector<1x128xf32>
    tpu.vector_store %arg10[%swap3A_60, %swap3A_61], %broadcast_in_dim3A_59 {strides = array<i32>} : memref<12x128xf32, #tpu.memory_space<vmem>>, vector<1x128xf32>,
    %eq3A_63 = vector.broadcast %broadcast_in_dim3A_39 : vector<512x1xi32> to vector<512x1024xi32>
    %eq3A_64 = arith.cmpi eq, %iota3A, %eq3A_63 : vector<512x1024xi32>
    %convert_element_type3A = arith.extui %eq3A_64 : vector<512x1024xi1> to vector<512x1024xi32>
    %convert_element_type3A_65 = arith.sitofp %convert_element_type3A : vector<512x1024xi32> to vector<512x1024xf32>
    %convert_element_type3A_66 = arith.truncf %convert_element_type3A_65 : vector<512x1024xf32> to vector<512x1024xbf16>
    %get3A_67 = arith.constant 0 : index
    %get3A_68 = arith.constant 0 : index
    %get3A_69 = vector.load %arg5[%get3A_67, %get3A_68] : memref<1024x256xf32, #tpu.memory_space<vmem>>, vector<1024x256xf32>
    %convert_element_type3A_70 = arith.truncf %get3A_69 : vector<1024x256xf32> to vector<1024x256xbf16>
    %convert_element_type3A_71 = arith.extf %convert_element_type3A_70 : vector<1024x256xbf16> to vector<1024x256xf32>
    %sub3A_72 = arith.subf %get3A_69, %convert_element_type3A_71 : vector<1024x256xf32>
    %convert_element_type3A_73 = arith.truncf %sub3A_72 : vector<1024x256xf32> to vector<1024x256xbf16>
    %dot_general3A_74 = arith.constant dense<0.000000e+00> : vector<512x256xf32>
    %dot_general3A_75 = tpu.matmul %convert_element_type3A_66, %convert_element_type3A_70, %dot_general3A_74 {dimension_numbers = #tpu.dot_dimension_numbers<[1], [0], [0], [1], [0, 0, 1, 1], [], []>, transpose_lhs_hint = false} : vector<512x1024xbf16>, vector<1024x256xbf16>, vector<512x256xf32> -> vector<512x256xf32>
    %dot_general3A_76 = arith.constant dense<0.000000e+00> : vector<512x256xf32>
    %dot_general3A_77 = tpu.matmul %convert_element_type3A_66, %convert_element_type3A_73, %dot_general3A_76 {dimension_numbers = #tpu.dot_dimension_numbers<[1], [0], [0], [1], [0, 0, 1, 1], [], []>, transpose_lhs_hint = false} : vector<512x1024xbf16>, vector<1024x256xbf16>, vector<512x256xf32> -> vector<512x256xf32>
    %add3A_78 = arith.addf %dot_general3A_75, %dot_general3A_77 : vector<512x256xf32>
    %swap3A_79 = arith.constant 0 : index
    %swap3A_80 = arith.constant 0 : index
    %swap3A_81 = arith.constant 0 : index
    %swap3A_82 = vector.load %arg12[%swap3A_79, %swap3A_80, %swap3A_81] : memref<1x512x256xf32, #tpu.memory_space<vmem>>, vector<1x512x256xf32>
    %swap3A_83 = vector.shape_cast %swap3A_82 : vector<1x512x256xf32> to vector<512x256xf32>
    %swap3A_84 = vector.shape_cast %add3A_78 : vector<512x256xf32> to vector<1x512x256xf32>
    tpu.vector_store %arg12[%swap3A_79, %swap3A_80, %swap3A_81], %swap3A_84 {strides = array<i32>} : memref<1x512x256xf32, #tpu.memory_space<vmem>>, vector<1x512x256xf32>,
    %get3A_85 = arith.constant 0 : index
    %get3A_86 = arith.constant 0 : index
    %get3A_87 = vector.load %arg6[%get3A_85, %get3A_86] : memref<320x512xf32, #tpu.memory_space<vmem>>, vector<320x512xf32>
    %convert_element_type3A_88 = arith.truncf %get3A_87 : vector<320x512xf32> to vector<320x512xbf16>
    %convert_element_type3A_89 = arith.extf %convert_element_type3A_88 : vector<320x512xbf16> to vector<320x512xf32>
    %sub3A_90 = arith.subf %get3A_87, %convert_element_type3A_89 : vector<320x512xf32>
    %convert_element_type3A_91 = arith.truncf %sub3A_90 : vector<320x512xf32> to vector<320x512xbf16>
    %convert_element_type3A_92 = arith.truncf %add3A_78 : vector<512x256xf32> to vector<512x256xbf16>
    %convert_element_type3A_93 = arith.extf %convert_element_type3A_92 : vector<512x256xbf16> to vector<512x256xf32>
    %sub3A_94 = arith.subf %add3A_78, %convert_element_type3A_93 : vector<512x256xf32>
    %convert_element_type3A_95 = arith.truncf %sub3A_94 : vector<512x256xf32> to vector<512x256xbf16>
    %convert_element_type3A_96 = arith.truncf %div3A_18 : vector<1x64xf32> to vector<1x64xbf16>
    %convert_element_type3A_97 = arith.extf %convert_element_type3A_96 : vector<1x64xbf16> to vector<1x64xf32>
    %sub3A_98 = arith.subf %div3A_18, %convert_element_type3A_97 : vector<1x64xf32>
    %convert_element_type3A_99 = arith.truncf %sub3A_98 : vector<1x64xf32> to vector<1x64xbf16>
    %slice3A = vector.extract_strided_slice %convert_element_type3A_88 {offsets = [0, 0], sizes = [256, 512], strides = [1, 1]} : vector<320x512xbf16> to vector<256x512xbf16>
    %dot_general3A_100 = arith.constant dense<0.000000e+00> : vector<512x512xf32>
    %dot_general3A_101 = tpu.matmul %slice3A, %convert_element_type3A_92, %dot_general3A_100 {dimension_numbers = #tpu.dot_dimension_numbers<[0], [1], [1], [0], [0, 1, 1, 0], [], []>, transpose_lhs_hint = false} : vector<256x512xbf16>, vector<512x256xbf16>, vector<512x512xf32> -> vector<512x512xf32>
    %slice3A_102 = vector.extract_strided_slice %convert_element_type3A_91 {offsets = [0, 0], sizes = [256, 512], strides = [1, 1]} : vector<320x512xbf16> to vector<256x512xbf16>
    %dot_general3A_103 = arith.constant dense<0.000000e+00> : vector<512x512xf32>
    %dot_general3A_104 = tpu.matmul %slice3A_102, %convert_element_type3A_92, %dot_general3A_103 {dimension_numbers = #tpu.dot_dimension_numbers<[0], [1], [1], [0], [0, 1, 1, 0], [], []>, transpose_lhs_hint = false} : vector<256x512xbf16>, vector<512x256xbf16>, vector<512x512xf32> -> vector<512x512xf32>
    %add3A_105 = arith.addf %dot_general3A_101, %dot_general3A_104 : vector<512x512xf32>
    %slice3A_106 = vector.extract_strided_slice %convert_element_type3A_88 {offsets = [0, 0], sizes = [256, 512], strides = [1, 1]} : vector<320x512xbf16> to vector<256x512xbf16>
    %dot_general3A_107 = arith.constant dense<0.000000e+00> : vector<512x512xf32>
    %dot_general3A_108 = tpu.matmul %slice3A_106, %convert_element_type3A_95, %dot_general3A_107 {dimension_numbers = #tpu.dot_dimension_numbers<[0], [1], [1], [0], [0, 1, 1, 0], [], []>, transpose_lhs_hint = false} : vector<256x512xbf16>, vector<512x256xbf16>, vector<512x512xf32> -> vector<512x512xf32>
    %add3A_109 = arith.addf %add3A_105, %dot_general3A_108 : vector<512x512xf32>
    %slice3A_110 = vector.extract_strided_slice %convert_element_type3A_88 {offsets = [256, 0], sizes = [64, 512], strides = [1, 1]} : vector<320x512xbf16> to vector<64x512xbf16>
    %dot_general3A_111 = arith.constant dense<0.000000e+00> : vector<512x1xf32>
    %dot_general3A_112 = tpu.matmul %slice3A_110, %convert_element_type3A_96, %dot_general3A_111 {dimension_numbers = #tpu.dot_dimension_numbers<[0], [1], [1], [0], [0, 1, 1, 0], [], []>, transpose_lhs_hint = false} : vector<64x512xbf16>, vector<1x64xbf16>, vector<512x1xf32> -> vector<512x1xf32>
    %slice3A_113 = vector.extract_strided_slice %convert_element_type3A_91 {offsets = [256, 0], sizes = [64, 512], strides = [1, 1]} : vector<320x512xbf16> to vector<64x512xbf16>
    %dot_general3A_114 = arith.constant dense<0.000000e+00> : vector<512x1xf32>
    %dot_general3A_115 = tpu.matmul %slice3A_113, %convert_element_type3A_96, %dot_general3A_114 {dimension_numbers = #tpu.dot_dimension_numbers<[0], [1], [1], [0], [0, 1, 1, 0], [], []>, transpose_lhs_hint = false} : vector<64x512xbf16>, vector<1x64xbf16>, vector<512x1xf32> -> vector<512x1xf32>
    %add3A_116 = arith.addf %dot_general3A_112, %dot_general3A_115 : vector<512x1xf32>
    %slice3A_117 = vector.extract_strided_slice %convert_element_type3A_88 {offsets = [256, 0], sizes = [64, 512], strides = [1, 1]} : vector<320x512xbf16> to vector<64x512xbf16>
    %dot_general3A_118 = arith.constant dense<0.000000e+00> : vector<512x1xf32>
    %dot_general3A_119 = tpu.matmul %slice3A_117, %convert_element_type3A_99, %dot_general3A_118 {dimension_numbers = #tpu.dot_dimension_numbers<[0], [1], [1], [0], [0, 1, 1, 0], [], []>, transpose_lhs_hint = false} : vector<64x512xbf16>, vector<1x64xbf16>, vector<512x1xf32> -> vector<512x1xf32>
    %add3A_120 = arith.addf %add3A_116, %dot_general3A_119 : vector<512x1xf32>
    %add3A_121 = vector.broadcast %add3A_120 : vector<512x1xf32> to vector<512x512xf32>
    %add3A_122 = arith.addf %add3A_109, %add3A_121 : vector<512x512xf32>
    %tanh3A_123 = math.tanh %add3A_122 : vector<512x512xf32>
    %swap3A_124 = arith.constant 0 : index
    %swap3A_125 = arith.constant 0 : index
    %swap3A_126 = arith.constant 0 : index
    %swap3A_127 = vector.load %arg13[%swap3A_124, %swap3A_125, %swap3A_126] : memref<1x512x512xf32, #tpu.memory_space<vmem>>, vector<1x512x512xf32>
    %swap3A_128 = vector.shape_cast %swap3A_127 : vector<1x512x512xf32> to vector<512x512xf32>
    %swap3A_129 = vector.shape_cast %tanh3A_123 : vector<512x512xf32> to vector<1x512x512xf32>
    tpu.vector_store %arg13[%swap3A_124, %swap3A_125, %swap3A_126], %swap3A_129 {strides = array<i32>} : memref<1x512x512xf32, #tpu.memory_space<vmem>>, vector<1x512x512xf32>,
    return
  }
  func.func @transform_0(%arg0: i32) -> (i32, i32, i32) {
    %add3A = arith.constant 4 : i32
    %add3A_0 = arith.addi %arg0, %add3A : i32
    %c0_i32 = arith.constant 0 : i32
    %c0_i32_1 = arith.constant 0 : i32
    %c0_i32_2 = arith.constant 0 : i32
    return %add3A_0, %c0_i32, %c0_i32_1 : i32, i32, i32
  }
  func.func @transform_1(%arg0: i32) -> (i32, i32) {
    %c0_i32 = arith.constant 0 : i32
    %c0_i32_0 = arith.constant 0 : i32
    %c0_i32_1 = arith.constant 0 : i32
    return %c0_i32, %c0_i32_0 : i32, i32
  }
  func.func @transform_2(%arg0: i32) -> (i32, i32) {
    %c0_i32 = arith.constant 0 : i32
    %c0_i32_0 = arith.constant 0 : i32
    %c0_i32_1 = arith.constant 0 : i32
    return %c0_i32, %c0_i32_0 : i32, i32
  }
  func.func @transform_3(%arg0: i32) -> (i32, i32) {
    %c0_i32 = arith.constant 0 : i32
    %c0_i32_0 = arith.constant 0 : i32
    %c0_i32_1 = arith.constant 0 : i32
    return %c0_i32, %c0_i32_0 : i32, i32
  }
  func.func @transform_4(%arg0: i32) -> (i32, i32) {
    %c0_i32 = arith.constant 0 : i32
    %c0_i32_0 = arith.constant 0 : i32
    %c0_i32_1 = arith.constant 0 : i32
    return %c0_i32, %c0_i32_0 : i32, i32
  }
  func.func @transform_5(%arg0: i32) -> (i32, i32) {
    %c0_i32 = arith.constant 0 : i32
    %c0_i32_0 = arith.constant 0 : i32
    %c0_i32_1 = arith.constant 0 : i32
    return %c0_i32, %c0_i32_0 : i32, i32
  }
  func.func @transform_7(%arg0: i32) -> (i32, i32, i32) {
    %add3A = arith.constant 4 : i32
    %add3A_0 = arith.addi %arg0, %add3A : i32
    %c0_i32 = arith.constant 0 : i32
    %c0_i32_1 = arith.constant 0 : i32
    %c0_i32_2 = arith.constant 0 : i32
    return %add3A_0, %c0_i32, %c0_i32_1 : i32, i32, i32
  }
  func.func @transform_8(%arg0: i32) -> (i32, i32, i32) {
    %c0_i32 = arith.constant 0 : i32
    %c0_i32_0 = arith.constant 0 : i32
    %c0_i32_1 = arith.constant 0 : i32
    return %arg0, %c0_i32, %c0_i32_0 : i32, i32, i32
  }
  func.func @transform_9(%arg0: i32) -> (i32, i32) {
    %c0_i32 = arith.constant 0 : i32
    %c0_i32_0 = arith.constant 0 : i32
    %c0_i32_1 = arith.constant 0 : i32
    return %c0_i32, %c0_i32_0 : i32, i32
  }
  func.func @transform_10(%arg0: i32) -> (i32, i32) {
    %c0_i32 = arith.constant 0 : i32
    %c0_i32_0 = arith.constant 0 : i32
    %c0_i32_1 = arith.constant 0 : i32
    return %c0_i32, %c0_i32_0 : i32, i32
  }
  func.func @transform_11(%arg0: i32) -> (i32, i32, i32) {
    %add3A = arith.constant 4 : i32
    %add3A_0 = arith.addi %arg0, %add3A : i32
    %c0_i32 = arith.constant 0 : i32
    %c0_i32_1 = arith.constant 0 : i32
    %c0_i32_2 = arith.constant 0 : i32
    return %add3A_0, %c0_i32, %c0_i32_1 : i32, i32, i32
  }
  func.func @transform_12(%arg0: i32) -> (i32, i32, i32) {
    %add3A = arith.constant 4 : i32
    %add3A_0 = arith.addi %arg0, %add3A : i32
    %c0_i32 = arith.constant 0 : i32
    %c0_i32_1 = arith.constant 0 : i32
    %c0_i32_2 = arith.constant 0 : i32
    return %add3A_0, %c0_i32, %c0_i32_1 : i32, i32, i32
  }
}

module attributes {stable_mosaic.version = 14 : i64} {
  func.func @_tail_kernel(%arg0: i32, %arg1: memref<1x512x256xf32, #tpu.memory_space<vmem>>, %arg2: memref<320x512xf32, #tpu.memory_space<vmem>>, %arg3: memref<4x64xf32, #tpu.memory_space<vmem>>, %arg4: memref<16x512x256xf32, #tpu.memory_space<hbm>>, %arg5: memref<16x512x512xf32, #tpu.memory_space<hbm>>, %arg6: memref<1x512x256xf32, #tpu.memory_space<vmem>>, %arg7: memref<1x512x512xf32, #tpu.memory_space<vmem>>) attributes {dimension_semantics = [#tpu.dimension_semantics<arbitrary>], iteration_bounds = array<i64: 4>, scalar_prefetch = 0 : i64, scratch_operands = 0 : i64, tpu.core_type = #tpu.core_type<tc>, window_params = [{transform_indices = @transform_0, window_bounds = array<i64: 1, 512, 256>}, {pipeline_mode = #tpu.pipeline_mode<synchronous>, transform_indices = @transform_1, window_bounds = array<i64: 320, 512>}, {pipeline_mode = #tpu.pipeline_mode<synchronous>, transform_indices = @transform_2, window_bounds = array<i64: 4, 64>}, {}, {}, {transform_indices = @transform_5, window_bounds = array<i64: 1, 512, 256>}, {transform_indices = @transform_6, window_bounds = array<i64: 1, 512, 512>}]} {
    %get3A = arith.constant 0 : index
    %get3A_0 = arith.constant 0 : index
    %get3A_1 = arith.constant 0 : index
    %get3A_2 = vector.load %arg1[%get3A, %get3A_0, %get3A_1] : memref<1x512x256xf32, #tpu.memory_space<vmem>>, vector<1x512x256xf32>
    %get3A_3 = vector.shape_cast %get3A_2 : vector<1x512x256xf32> to vector<512x256xf32>
    %swap3A = arith.constant 0 : index
    %swap3A_4 = arith.constant 0 : index
    %swap3A_5 = arith.constant 0 : index
    %swap3A_6 = vector.load %arg6[%swap3A, %swap3A_4, %swap3A_5] : memref<1x512x256xf32, #tpu.memory_space<vmem>>, vector<1x512x256xf32>
    %swap3A_7 = vector.shape_cast %swap3A_6 : vector<1x512x256xf32> to vector<512x256xf32>
    %swap3A_8 = vector.shape_cast %get3A_3 : vector<512x256xf32> to vector<1x512x256xf32>
    tpu.vector_store %arg6[%swap3A, %swap3A_4, %swap3A_5], %swap3A_8 {strides = array<i32>} : memref<1x512x256xf32, #tpu.memory_space<vmem>>, vector<1x512x256xf32>,
    %get3A_9 = arith.index_cast %arg0 : i32 to index
    %get3A_10 = arith.constant 0 : index
    %get3A_11 = vector.load %arg3[%get3A_9, %get3A_10] : memref<4x64xf32, #tpu.memory_space<vmem>>, vector<1x64xf32>
    %get3A_12 = arith.constant 0 : index
    %get3A_13 = arith.constant 0 : index
    %get3A_14 = vector.load %arg2[%get3A_12, %get3A_13] : memref<320x512xf32, #tpu.memory_space<vmem>>, vector<320x512xf32>
    %convert_element_type3A = arith.truncf %get3A_14 : vector<320x512xf32> to vector<320x512xbf16>
    %convert_element_type3A_15 = arith.extf %convert_element_type3A : vector<320x512xbf16> to vector<320x512xf32>
    %sub3A = arith.subf %get3A_14, %convert_element_type3A_15 : vector<320x512xf32>
    %convert_element_type3A_16 = arith.truncf %sub3A : vector<320x512xf32> to vector<320x512xbf16>
    %convert_element_type3A_17 = arith.truncf %get3A_3 : vector<512x256xf32> to vector<512x256xbf16>
    %convert_element_type3A_18 = arith.extf %convert_element_type3A_17 : vector<512x256xbf16> to vector<512x256xf32>
    %sub3A_19 = arith.subf %get3A_3, %convert_element_type3A_18 : vector<512x256xf32>
    %convert_element_type3A_20 = arith.truncf %sub3A_19 : vector<512x256xf32> to vector<512x256xbf16>
    %convert_element_type3A_21 = arith.truncf %get3A_11 : vector<1x64xf32> to vector<1x64xbf16>
    %convert_element_type3A_22 = arith.extf %convert_element_type3A_21 : vector<1x64xbf16> to vector<1x64xf32>
    %sub3A_23 = arith.subf %get3A_11, %convert_element_type3A_22 : vector<1x64xf32>
    %convert_element_type3A_24 = arith.truncf %sub3A_23 : vector<1x64xf32> to vector<1x64xbf16>
    %slice3A = vector.extract_strided_slice %convert_element_type3A {offsets = [0, 0], sizes = [256, 512], strides = [1, 1]} : vector<320x512xbf16> to vector<256x512xbf16>
    %dot_general3A = arith.constant dense<0.000000e+00> : vector<512x512xf32>
    %dot_general3A_25 = tpu.matmul %slice3A, %convert_element_type3A_17, %dot_general3A {dimension_numbers = #tpu.dot_dimension_numbers<[0], [1], [1], [0], [0, 1, 1, 0], [], []>, transpose_lhs_hint = false} : vector<256x512xbf16>, vector<512x256xbf16>, vector<512x512xf32> -> vector<512x512xf32>
    %slice3A_26 = vector.extract_strided_slice %convert_element_type3A_16 {offsets = [0, 0], sizes = [256, 512], strides = [1, 1]} : vector<320x512xbf16> to vector<256x512xbf16>
    %dot_general3A_27 = arith.constant dense<0.000000e+00> : vector<512x512xf32>
    %dot_general3A_28 = tpu.matmul %slice3A_26, %convert_element_type3A_17, %dot_general3A_27 {dimension_numbers = #tpu.dot_dimension_numbers<[0], [1], [1], [0], [0, 1, 1, 0], [], []>, transpose_lhs_hint = false} : vector<256x512xbf16>, vector<512x256xbf16>, vector<512x512xf32> -> vector<512x512xf32>
    %add3A = arith.addf %dot_general3A_25, %dot_general3A_28 : vector<512x512xf32>
    %slice3A_29 = vector.extract_strided_slice %convert_element_type3A {offsets = [0, 0], sizes = [256, 512], strides = [1, 1]} : vector<320x512xbf16> to vector<256x512xbf16>
    %dot_general3A_30 = arith.constant dense<0.000000e+00> : vector<512x512xf32>
    %dot_general3A_31 = tpu.matmul %slice3A_29, %convert_element_type3A_20, %dot_general3A_30 {dimension_numbers = #tpu.dot_dimension_numbers<[0], [1], [1], [0], [0, 1, 1, 0], [], []>, transpose_lhs_hint = false} : vector<256x512xbf16>, vector<512x256xbf16>, vector<512x512xf32> -> vector<512x512xf32>
    %add3A_32 = arith.addf %add3A, %dot_general3A_31 : vector<512x512xf32>
    %slice3A_33 = vector.extract_strided_slice %convert_element_type3A {offsets = [256, 0], sizes = [64, 512], strides = [1, 1]} : vector<320x512xbf16> to vector<64x512xbf16>
    %dot_general3A_34 = arith.constant dense<0.000000e+00> : vector<512x1xf32>
    %dot_general3A_35 = tpu.matmul %slice3A_33, %convert_element_type3A_21, %dot_general3A_34 {dimension_numbers = #tpu.dot_dimension_numbers<[0], [1], [1], [0], [0, 1, 1, 0], [], []>, transpose_lhs_hint = false} : vector<64x512xbf16>, vector<1x64xbf16>, vector<512x1xf32> -> vector<512x1xf32>
    %slice3A_36 = vector.extract_strided_slice %convert_element_type3A_16 {offsets = [256, 0], sizes = [64, 512], strides = [1, 1]} : vector<320x512xbf16> to vector<64x512xbf16>
    %dot_general3A_37 = arith.constant dense<0.000000e+00> : vector<512x1xf32>
    %dot_general3A_38 = tpu.matmul %slice3A_36, %convert_element_type3A_21, %dot_general3A_37 {dimension_numbers = #tpu.dot_dimension_numbers<[0], [1], [1], [0], [0, 1, 1, 0], [], []>, transpose_lhs_hint = false} : vector<64x512xbf16>, vector<1x64xbf16>, vector<512x1xf32> -> vector<512x1xf32>
    %add3A_39 = arith.addf %dot_general3A_35, %dot_general3A_38 : vector<512x1xf32>
    %slice3A_40 = vector.extract_strided_slice %convert_element_type3A {offsets = [256, 0], sizes = [64, 512], strides = [1, 1]} : vector<320x512xbf16> to vector<64x512xbf16>
    %dot_general3A_41 = arith.constant dense<0.000000e+00> : vector<512x1xf32>
    %dot_general3A_42 = tpu.matmul %slice3A_40, %convert_element_type3A_24, %dot_general3A_41 {dimension_numbers = #tpu.dot_dimension_numbers<[0], [1], [1], [0], [0, 1, 1, 0], [], []>, transpose_lhs_hint = false} : vector<64x512xbf16>, vector<1x64xbf16>, vector<512x1xf32> -> vector<512x1xf32>
    %add3A_43 = arith.addf %add3A_39, %dot_general3A_42 : vector<512x1xf32>
    %add3A_44 = vector.broadcast %add3A_43 : vector<512x1xf32> to vector<512x512xf32>
    %add3A_45 = arith.addf %add3A_32, %add3A_44 : vector<512x512xf32>
    %tanh3A = math.tanh %add3A_45 : vector<512x512xf32>
    %swap3A_46 = arith.constant 0 : index
    %swap3A_47 = arith.constant 0 : index
    %swap3A_48 = arith.constant 0 : index
    %swap3A_49 = vector.load %arg7[%swap3A_46, %swap3A_47, %swap3A_48] : memref<1x512x512xf32, #tpu.memory_space<vmem>>, vector<1x512x512xf32>
    %swap3A_50 = vector.shape_cast %swap3A_49 : vector<1x512x512xf32> to vector<512x512xf32>
    %swap3A_51 = vector.shape_cast %tanh3A : vector<512x512xf32> to vector<1x512x512xf32>
    tpu.vector_store %arg7[%swap3A_46, %swap3A_47, %swap3A_48], %swap3A_51 {strides = array<i32>} : memref<1x512x512xf32, #tpu.memory_space<vmem>>, vector<1x512x512xf32>,
    return
  }
  func.func @transform_0(%arg0: i32) -> (i32, i32, i32) {
    %c0_i32 = arith.constant 0 : i32
    %c0_i32_0 = arith.constant 0 : i32
    %c0_i32_1 = arith.constant 0 : i32
    return %arg0, %c0_i32, %c0_i32_0 : i32, i32, i32
  }
  func.func @transform_1(%arg0: i32) -> (i32, i32) {
    %c0_i32 = arith.constant 0 : i32
    %c0_i32_0 = arith.constant 0 : i32
    %c0_i32_1 = arith.constant 0 : i32
    return %c0_i32, %c0_i32_0 : i32, i32
  }
  func.func @transform_2(%arg0: i32) -> (i32, i32) {
    %c0_i32 = arith.constant 0 : i32
    %c0_i32_0 = arith.constant 0 : i32
    %c0_i32_1 = arith.constant 0 : i32
    return %c0_i32, %c0_i32_0 : i32, i32
  }
  func.func @transform_5(%arg0: i32) -> (i32, i32, i32) {
    %c0_i32 = arith.constant 0 : i32
    %c0_i32_0 = arith.constant 0 : i32
    %c0_i32_1 = arith.constant 0 : i32
    return %arg0, %c0_i32, %c0_i32_0 : i32, i32, i32
  }
  func.func @transform_6(%arg0: i32) -> (i32, i32, i32) {
    %c0_i32 = arith.constant 0 : i32
    %c0_i32_0 = arith.constant 0 : i32
    %c0_i32_1 = arith.constant 0 : i32
    return %arg0, %c0_i32, %c0_i32_0 : i32, i32, i32
  }
}

</mosaic_0001>

<sc_bundles>
// kernel: kernel.6.cloned.1.call-start
scs
__scs_entry_jumppad:
0x0: {  	(pc) =	sbr.rel $0x88, $3  }
0x1: {  	(tag) =	ssettag $0x0;
	lr =	simm.s32 $0x1  }
0x2: {  	[smem:$0x3F9C] =	sst lr;
	_ =	strace $0xD0000000  }
0x3: {  	_ = 	snop  }
0x4: {  	_ = 	snop  }
0x5: {  	_ = 	snop  }
0x6: {  	_ = 	snop  }
0x7: {  	_ = 	snop  }
__scs_overlays_trampoline_lowered:
0x8: {  	[smem:$0x3FAB] =	sst s0  }
0x9: {  	[smem:$0x3FAC] =	sst s1  }
0xa: {  	[smem:$0x3FAD] =	sst s2  }
0xb: {  	[smem:$0x3FAE] =	sst s3  }
0xc: {  	[smem:$0x3FAF] =	sst s4  }
0xd: {  	[smem:$0x3FB0] =	sst s5  }
0xe: {  	[smem:$0x3FB1] =	sst s6  }
0xf: {  	[smem:$0x3FB2] =	sst s7  }
0x10: {  	[smem:$0x3FB3] =	sst s8  }
0x11: {  	[smem:$0x3FB4] =	sst s9;
	s0 =	simm.s32 @!p0 $0x0  }
0x12: {  	s1 =	sld [smem:$0x3F9A];
	s0 =	simm.s32 @p0 $0x1  }
0x13: {  	[smem:$0x3FB5] =	sst s0;
	s0 =	simm.s32 @!p1 $0x0  }
0x14: {  	s2 =	sld [smem:$0x3F99];
	s0 =	simm.s32 @p1 $0x1  }
0x15: {  	[smem:$0x3FB6] =	sst s0;
	s0 =	simm.s32 @!p2 $0x0  }
0x16: {  	s3 =	sld [smem:$0x3FDB];
	s0 =	simm.s32 @p2 $0x1  }
0x17: {  	s4 =	simm.s32 $0x1BF5;
	[smem:$0x3FB8] =	sst s0  }
0x18: {  	s0 =	sld [smem:$0x3F9B];
	_ =	swait.ge [sflag:s4], $0x0  }
0x19: {  	s7 =	sld [smem:$0x3F9C]  }
0x1a: {  	s8 =	sadd.s32 $0xFFFFE003, lr  }
0x1b: {  	s9 =	sadd.s32 $0xFFFFFEF7, lr;
	s5 =	simm.s32 $0xFFFFFFFF;
	p2 =	slt.u32 s8, $0xFFFFF086  }
0x1c: {  	p1 =	slt.u32 s9, $0xF7A;
	s5 =	simm.s32 @!p2 $0x0  }
0x1d: {  	s5 =	simm.s32 @p1 $0x1;
	p0 =	seq.s32 s7, s2  }
0x1e: {  	s7 =	smul.u32 @!p0 $0xF7A, s2;
	p2 =	seq.s32 @!p0 s5, $0x0  }
0x1f: {  	s9 =	smul.u32 $0xF7A, s1;
	s8 =	simm.s32 @!p0 $0x1BF5;
	p2 =	por !p2, p0  }
0x20: {  	[sflag:s8] =	ssyncset.s32 @!p0 $0xFFFFF086;
	s6 =	sadd.s32 @!p0 s3, s7;
	s7 =	simm.s32 @!p0 $0x108  }
0x21: {  	s3 =	sadd.s32 s3, s9;
	s6 =	sadd.s32 @!p0 $0x88, s6;
	s7 =	simm.s32 @p2 $0x1082  }
0x22: {  	[simem:s7], [sflag:s8] =	dma.local @!p0 [hbm:s6], $0xF7A  }
0x23: {  	s9 =	sor.u32 $0xD0000000, s2;
	s6 =	simm.s32 $0x108;
	_ =	swait.ge @!p0 [sflag:s8], $0x0  }
0x24: {  	s3 =	sadd.s32 $0x88, s3;
	s6 =	simm.s32 @!p1 $0x1082;
	[sflag:s4] =	ssyncset.s32 $0xFFFFF086  }
0x25: {  	[simem:s6], [sflag:s4] =	dma.local [hbm:s3], $0xF7A  }
0x26: {  	[smem:$0x3F9C] =	sst s1;
	(tag) =	ssettag s2;
	_ =	strace s9  }
0x27: {  	s1 =	sld [smem:$0x3FAC]  }
0x28: {  	s2 =	sld [smem:$0x3FAD]  }
0x29: {  	s4 =	sld [smem:$0x3FAF]  }
0x2a: {  	p0 =	seq.s32 s5, $0x0;
	s5 =	sld [smem:$0x3FB0]  }
0x2b: {  	s6 =	sld [smem:$0x3FB1]  }
0x2c: {  	s7 =	sld [smem:$0x3FB2]  }
0x2d: {  	s3 =	simm.s32 $0x108;
	s8 =	sld [smem:$0x3FB3]  }
0x2e: {  	s3 =	simm.s32 @!p0 $0x1082;
	s9 =	sld [smem:$0x3FB4]  }
0x2f: {  	lr =	sadd.s32 s0, s3;
	s0 =	sld [smem:$0x3FAB]  }
0x30: {  	s3 =	sld [smem:$0x3FAE]  }
0x31: {  	[smem:$0x3FB7] =	sst s10  }
0x32: {  	s10 =	sld [smem:$0x3FB5];
	_ =	sdelay $0x3  }
0x33: {  	p0 =	seq.s32 s10, $0x1;
	s10 =	sld [smem:$0x3FB7];
	_ =	sdelay $0x3  }
0x34: {  	[smem:$0x3FB7] =	sst s10  }
0x35: {  	s10 =	sld [smem:$0x3FB6];
	_ =	sdelay $0x3  }
0x36: {  	p1 =	seq.s32 s10, $0x1;
	s10 =	sld [smem:$0x3FB7];
	_ =	sdelay $0x3  }
0x37: {  	[smem:$0x3FB7] =	sst s10  }
0x38: {  	s10 =	sld [smem:$0x3FB8]  }
0x39: {  	_ = 	snop;
	(pc) =	sbr.ind lr, $3  }
0x3a: {  	_ = 	snop  }
0x3b: {  	_ = 	snop  }
0x3c: {  	p2 =	seq.s32 s10, $0x1;
	s10 =	sld [smem:$0x3FB7]  }
0x3d: {  	_ =	shalt  }
0x3e: {  	_ =	shalt  }
0x3f: {  	_ =	shalt  }
0x40: {  	_ =	shalt  }
0x41: {  	_ =	shalt  }
0x42: {  	_ =	shalt  }
0x43: {  	_ =	shalt  }
0x44: {  	_ =	shalt  }
0x45: {  	_ =	shalt  }
0x46: {  	_ =	shalt  }
0x47: {  	_ =	shalt  }
0x48: {  	_ =	shalt  }
0x49: {  	_ =	shalt  }
0x4a: {  	_ =	shalt  }
0x4b: {  	_ =	shalt  }
0x4c: {  	_ =	shalt  }
0x4d: {  	_ =	shalt  }
0x4e: {  	_ =	shalt  }
0x4f: {  	_ =	shalt  }
0x50: {  	_ =	shalt  }
0x51: {  	_ =	shalt  }
0x52: {  	_ =	shalt  }
0x53: {  	_ =	shalt  }
0x54: {  	_ =	shalt  }
0x55: {  	_ =	shalt  }
0x56: {  	_ =	shalt  }
0x57: {  	_ =	shalt  }
0x58: {  	_ =	shalt  }
0x59: {  	_ =	shalt  }
0x5a: {  	_ =	shalt  }
0x5b: {  	_ =	shalt  }
0x5c: {  	_ =	shalt  }
0x5d: {  	_ =	shalt  }
0x5e: {  	_ =	shalt  }
0x5f: {  	_ =	shalt  }
0x60: {  	_ =	shalt  }
0x61: {  	_ =	shalt  }
0x62: {  	_ =	shalt  }
0x63: {  	_ =	shalt  }
0x64: {  	_ =	shalt  }
0x65: {  	_ =	shalt  }
0x66: {  	_ =	shalt  }
0x67: {  	_ =	shalt  }
0x68: {  	_ =	shalt  }
0x69: {  	_ =	shalt  }
0x6a: {  	_ =	shalt  }
0x6b: {  	_ =	shalt  }
0x6c: {  	_ =	shalt  }
0x6d: {  	_ =	shalt  }
0x6e: {  	_ =	shalt  }
0x6f: {  	_ =	shalt  }
0x70: {  	_ =	shalt  }
0x71: {  	_ =	shalt  }
0x72: {  	_ =	shalt  }
0x73: {  	_ =	shalt  }
0x74: {  	_ =	shalt  }
0x75: {  	_ =	shalt  }
0x76: {  	_ =	shalt  }
0x77: {  	_ =	shalt  }
0x78: {  	_ =	shalt  }
0x79: {  	_ =	shalt  }
0x7a: {  	_ =	shalt  }
0x7b: {  	_ =	shalt  }
0x7c: {  	_ =	shalt  }
0x7d: {  	_ =	shalt  }
0x7e: {  	_ =	shalt  }
0x7f: {  	_ =	shalt  }
0x80: {  	_ =	shalt  }
0x81: {  	_ =	shalt  }
0x82: {  	_ =	shalt  }
0x83: {  	_ =	shalt  }
0x84: {  	_ =	shalt  }
0x85: {  	_ =	shalt  }
0x86: {  	_ =	shalt  }
0x87: {  	_ =	shalt  }
.Lfunc_end0:
.L_simem_size_0:
called_computation_lowered:
.L_overlay_start_0:
0x88: {  	s2 =	sld [smem:$0x3FD9]  }
0x89: {  	s3 =	sld [smem:$0x3FFE];
	_ =	sdelay $0x1  }
0x8a: {  	s1 =	srdreg.scid  }
0x8b: {  	s0 =	sand.u32 $0x1, s1  }
0x8c: {  	s16 =	sshll.u32 s0, $0xA;
	s2 =	sadd.s32 s3, s2  }
0x8d: {  	s2 =	sadd.s32 s2, s16  }
0x8e: {  	[smem:$0x3FC3] =	sst s2  }
0x8f: {  	_ = 	snop  }
0x90: {  	(tm) =	ssettm $0x1  }
0x91: {  	s17 =	sld [smem:$0x3FFB];
	_ =	sdelay $0x3  }
0x92: {  	_ =	strace s17  }
0x93: {  	s2 =	sld [smem:$0x3FFC];
	_ =	sdelay $0x3  }
0x94: {  	_ =	strace s2  }
0x95: {  	s2 =	sld [smem:$0x3FFD];
	_ =	sdelay $0x3  }
0x96: {  	_ =	strace s2  }
0x97: {  	_ =	strace $0x8FFFFFFF  }
0x98: {  	s18 =	sld [smem:$0x3FDB];
	_ =	sdelay $0x1  }
0x99: {  	s19 =	simm.s32 $_scs_section_size  }
0x9a: {  	s4 =	simm.s32 $_size__tile_overlayer_lowered;
	s5 =	simm.s32 $_tile_overlayer_lowered  }
0x9b: {  	s22 =	simm.s32 $0x1BFF;
	s21 =	sshll.u32 s5, $0x1;
	s2 =	sadd.s32 s19, s18  }
0x9c: {  	s6 =	simm.s32 $0x0;
	s20 =	sshll.u32 s4, $0x1;
	s4 =	sadd.s32 s21, s2  }
0x9d: {  	[timem:s6], [sflag:s22] =	dma.local [hbm:s4], s20  }
0x9e: {  	_ =	swait.ge [sflag:s22], s20  }
0x9f: {  	s3 =	ssub.s32 $0x0, s20;
	[sflag:s22] =	ssyncset.done $0x0  }
0xa0: {  	[sflag:s22] =	ssyncadd.s32 s3;
	_ =	sdelay $0x1  }
0xa1: {  	s23 =	simm.s32 $0x1B8B  }
0xa2: {  	_ =	swait.ge [sflag:s23], $0x1  }
0xa3: {  	[sflag:s23] =	ssyncset.done $0x0  }
0xa4: {  	s25 =	simm.s32 $0x1B8E;
	s24 =	sld [smem:$0x3FFE];
	[sflag:s23] =	ssyncadd.s32 $0xFFFFFFFF  }
0xa5: {  	s26 =	simm.s32 $execute0_lowered;
	[smem:$0x3FD2] =	sst s25  }
0xa6: {  	s4 =	sshll.u32 s26, $0x1;
	_ =	strace $0x80000046;
	[dreg:$0x1] =	wrdreg $0xFFFFFFFF  }
0xa7: {  	s28 =	simm.s32 $_size_execute0_lowered;
	s2 =	sadd.s32 s2, s4;
	[dreg:$0x0] =	wrdreg $0x0  }
0xa8: {  	s4 =	sshll.u32 s28, $0x1;
	[dreg:$0x2] =	wrdreg s2  }
0xa9: {  	[dreg:$0x3] =	wrdreg s4  }
0xaa: {  	[dreg:$0x4] =	wrdreg $0xC0  }
0xab: {  	_ =	task [dreg:s6], $0x5FFFF  }
0xac: {  	[dreg:$0x1] =	wrdreg $0xFFFFFFFF  }
0xad: {  	[dreg:$0x0] =	wrdreg $0x60  }
0xae: {  	[dreg:$0x2] =	wrdreg s24  }
0xaf: {  	[dreg:$0x3] =	wrdreg $0x9  }
0xb0: {  	_ =	task.clear_ibuf [dreg:s6], $0x4FFFF;
	_ =	strace $0x90000046  }
0xb1: {  	s29 =	simm.s32 $0x9;
	_ =	strace $0x80000048  }
0xb2: {  	_ =	swait.ge [sflag:s29], $0x1  }
0xb3: {  	[sflag:s29] =	ssyncadd.s32 $0xFFFFFFFF  }
0xb4: {  	_ =	strace $0x90000048  }
0xb5: {  	_ =	sfence  }
0xb6: {  	s30 =	sld [smem:$0x0];
	_ =	sdelay $0x2  }
0xb7: {  	s31 =	sshll.u32 s1, $0xD;
	s1 =	sshrl.u32 s1, $0x2  }
0xb8: {  	s3 =	sand.u32 $0x4000, s31;
	s1 =	sadd.s32 s1, s30  }
0xb9: {  	s0 =	sor.u32 s3, s0;
	s1 =	sshll.u32 s1, $0x11  }
0xba: {  	s0 =	sor.u32 s1, s0  }
0xbb: {  	s0 =	sadd.s32 $0x8F2B, s0  }
0xbc: {  	[sflag:s0] =	ssyncadd.remote.s32 $0x1  }
0xbd: {  	_ =	sfence.sel $0xFFFF  }
0xbe: {  	[dreg:$0x0] =	wrdreg $0xFFFFFFFF;
	(pc) =	sbr.abs _section_cstart, $3  }
0xbf: {  	[dreg:$0x1] =	wrdreg $0xFFFFFFFF  }
0xc0: {  	_ =	task.clear_ibuf [dreg:s6], $0x2FFFF;
	_ =	strace $0x9FFFFFFF  }
0xc1: {  	(tm) =	ssettm $0x7FFFFFFF  }
tec
execute0_lowered:
.L_overlay_start_1:
0x0: {  	(tag) =	ssettag $0x1  }
0x1: {  	s1 =	srdreg.scid  }
0x2: {  	s0 =	stileid.u32;
	s23 =	sand.u32 $0x1, s1  }
0x3: {  	s31 =	sshll.u32 s0, $0x7;
	s2 =	sshll.u32 s23, $0x6  }
0x4: {  	s22 =	rddreg [dreg:$0x0];
	s24 =	sor.u32 s2, s31  }
0x5: {  	s1 =	rddreg [dreg:$0x1];
	s2 =	simm.s32 $0x0;
	s3 =	sshrl.u32 s24, $0x3  }
0x6: {  	[smem:$0x7FF] =	sst s2;
	s3 =	sadd.s32 s3, s22  }
0x7: {  	_ =	strace $0x80000047;
	s4 =	sadd.s32 $0x8200, s3;
	s3 =	simm.s32 $0x2  }
0x8: {  	[tilespmem:s2], [sflag:$0x2] =	stream.linear.gather [hbm4b:s4+s2], $0x40, $0x38;
	[tilespmem:$0x4080] =	vst v63  }
0x9: {  	_ =	swait.ge [sflag:s3], $0x40  }
0xa: {  	s6 =	simm.s32 $0x8;
	[sflag:s3] =	ssyncset.done $0x0  }
0xb: {  	s7 =	simm.s32 $0x80;
	s5 =	sadd.s32 $0x200, s22;
	[sflag:s3] =	ssyncadd.s32 $0xFFFFFFC0  }
0xc: {  	[tilespmem:s7], [sflag:$0x1] =	stream.indirect.gather [hbm4b:s5+s6], $0x100, s2, s6, $0xb8;
	[tilespmem:$0x4080] =	vst v63  }
0xd: {  	s8 =	simm.s32 $0x880  }
0xe: {  	[tilespmem:s8], [sflag:$0x1] =	stream.indirect.gather [hbm4b:s5+s6], $0x100, s6, s6, $0xb8;
	[tilespmem:$0x4080] =	vst v63  }
0xf: {  	s9 =	simm.s32 $0x10;
	s10 =	simm.s32 $0x1080  }
0x10: {  	[tilespmem:s10], [sflag:$0x1] =	stream.indirect.gather [hbm4b:s5+s6], $0x100, s9, s6, $0xb8;
	[tilespmem:$0x4080] =	vst v63  }
0x11: {  	s11 =	simm.s32 $0x18;
	s12 =	simm.s32 $0x1880  }
0x12: {  	[tilespmem:s12], [sflag:$0x1] =	stream.indirect.gather [hbm4b:s5+s6], $0x100, s11, s6, $0xb8;
	[tilespmem:$0x4080] =	vst v63  }
0x13: {  	s13 =	simm.s32 $0x20;
	s14 =	simm.s32 $0x2080  }
0x14: {  	[tilespmem:s14], [sflag:$0x1] =	stream.indirect.gather [hbm4b:s5+s6], $0x100, s13, s6, $0xb8;
	[tilespmem:$0x4080] =	vst v63  }
0x15: {  	s15 =	simm.s32 $0x28;
	s16 =	simm.s32 $0x2880  }
0x16: {  	[tilespmem:s16], [sflag:$0x1] =	stream.indirect.gather [hbm4b:s5+s6], $0x100, s15, s6, $0xb8;
	[tilespmem:$0x4080] =	vst v63  }
0x17: {  	s17 =	simm.s32 $0x30;
	s18 =	simm.s32 $0x3080  }
0x18: {  	[tilespmem:s18], [sflag:$0x1] =	stream.indirect.gather [hbm4b:s5+s6], $0x100, s17, s6, $0xb8;
	[tilespmem:$0x4080] =	vst v63  }
0x19: {  	s19 =	simm.s32 $0x38;
	s20 =	simm.s32 $0x3880;
	s21 =	simm.s32 $0x1  }
0x1a: {  	[tilespmem:s20], [sflag:$0x1] =	stream.indirect.gather [hbm4b:s5+s6], $0x100, s19, s6, $0xb8;
	[tilespmem:$0x4080] =	vst v63  }
0x1b: {  	_ =	swait.ge [sflag:s21], $0x800  }
0x1c: {  	[sflag:s21] =	ssyncset.done $0x0  }
0x1d: {  	[sflag:s21] =	ssyncadd.s32 $0xFFFFF800  }
0x1e: {  	_ =	swait.ge [sflag:s21], $0x800  }
0x1f: {  	[sflag:s21] =	ssyncset.done $0x0  }
0x20: {  	[sflag:s21] =	ssyncadd.s32 $0xFFFFF800  }
0x21: {  	_ =	swait.ge [sflag:s21], $0x800  }
0x22: {  	[sflag:s21] =	ssyncset.done $0x0  }
0x23: {  	[sflag:s21] =	ssyncadd.s32 $0xFFFFF800  }
0x24: {  	_ =	swait.ge [sflag:s21], $0x800  }
0x25: {  	[sflag:s21] =	ssyncset.done $0x0  }
0x26: {  	[sflag:s21] =	ssyncadd.s32 $0xFFFFF800  }
0x27: {  	_ =	swait.ge [sflag:s21], $0x800  }
0x28: {  	[sflag:s21] =	ssyncset.done $0x0  }
0x29: {  	[sflag:s21] =	ssyncadd.s32 $0xFFFFF800  }
0x2a: {  	_ =	swait.ge [sflag:s21], $0x800  }
0x2b: {  	[sflag:s21] =	ssyncset.done $0x0  }
0x2c: {  	s23 =	ssub.s32 $0x2, s23;
	[sflag:s21] =	ssyncadd.s32 $0xFFFFF800  }
0x2d: {  	s25 =	sshrl.u32 s23, $0x1;
	_ =	swait.ge [sflag:s21], $0x800  }
0x2e: {  	s23 =	ssub.s32 s23, s25;
	[sflag:s21] =	ssyncset.done $0x0  }
0x2f: {  	s23 =	smax.u32 s23, $0x1;
	[sflag:s21] =	ssyncadd.s32 $0xFFFFF800  }
0x30: {  	s24 =	sshll.u32 s24, $0x5;
	p0 =	sne.s32 s23, $0x1;
	_ =	swait.ge [sflag:s21], $0x800  }
.Ltmp0:
0x31: {  	s22 =	sadd.s32 s24, s22;
	[sflag:s21] =	ssyncset.done $0x0;
	(pc) =	sbr.rel @!p0 .LBB2_2-.Ltmp0, $4  }
0x32: {  	s22 =	sadd.s32 $0x8400, s22;
	[sflag:s21] =	ssyncadd.s32 $0xFFFFF800  }
0x33: {  	[hbm4b:s22+s2] =	stream.linear.scatter [tilespmem:s7], [sflag:$0x2], $0x4000, $0x38;
	[tilespmem:$0x4080] =	vst v63  }
0x34: {  	_ =	swait.ge [sflag:s3], $0x4000  }
0x35: {  	s23 =	sadd.s32 $0xFFFFFFFF, s23;
	[sflag:s3] =	ssyncset.done $0x0  }
.LBB2_1:
0x36: {  	p0 =	sne.s32 s23, $0x1;
	s23 =	sadd.s32 $0xFFFFFFFF, s23;
	[sflag:s3] =	ssyncadd.s32 $0xFFFFC000  }
0x37: {  	[tilespmem:s2], [sflag:$0x2] =	stream.linear.gather [hbm4b:s4+s2], $0x40, $0x38;
	[tilespmem:$0x4080] =	vst v63  }
0x38: {  	_ =	swait.ge [sflag:s3], $0x40  }
0x39: {  	[sflag:s3] =	ssyncset.done $0x0  }
0x3a: {  	[sflag:s3] =	ssyncadd.s32 $0xFFFFFFC0  }
0x3b: {  	[tilespmem:s7], [sflag:$0x1] =	stream.indirect.gather [hbm4b:s5+s6], $0x100, s2, s6, $0xb8;
	[tilespmem:$0x4080] =	vst v63  }
0x3c: {  	_ = 	snop  }
0x3d: {  	[tilespmem:s8], [sflag:$0x1] =	stream.indirect.gather [hbm4b:s5+s6], $0x100, s6, s6, $0xb8;
	[tilespmem:$0x4080] =	vst v63  }
0x3e: {  	_ = 	snop  }
0x3f: {  	[tilespmem:s10], [sflag:$0x1] =	stream.indirect.gather [hbm4b:s5+s6], $0x100, s9, s6, $0xb8;
	[tilespmem:$0x4080] =	vst v63  }
0x40: {  	_ = 	snop  }
0x41: {  	[tilespmem:s12], [sflag:$0x1] =	stream.indirect.gather [hbm4b:s5+s6], $0x100, s11, s6, $0xb8;
	[tilespmem:$0x4080] =	vst v63  }
0x42: {  	_ = 	snop  }
0x43: {  	[tilespmem:s14], [sflag:$0x1] =	stream.indirect.gather [hbm4b:s5+s6], $0x100, s13, s6, $0xb8;
	[tilespmem:$0x4080] =	vst v63  }
0x44: {  	_ = 	snop  }
0x45: {  	[tilespmem:s16], [sflag:$0x1] =	stream.indirect.gather [hbm4b:s5+s6], $0x100, s15, s6, $0xb8;
	[tilespmem:$0x4080] =	vst v63  }
0x46: {  	_ = 	snop  }
0x47: {  	[tilespmem:s18], [sflag:$0x1] =	stream.indirect.gather [hbm4b:s5+s6], $0x100, s17, s6, $0xb8;
	[tilespmem:$0x4080] =	vst v63  }
0x48: {  	_ = 	snop  }
0x49: {  	[tilespmem:s20], [sflag:$0x1] =	stream.indirect.gather [hbm4b:s5+s6], $0x100, s19, s6, $0xb8;
	[tilespmem:$0x4080] =	vst v63  }
0x4a: {  	_ =	swait.ge [sflag:s21], $0x800  }
0x4b: {  	[sflag:s21] =	ssyncset.done $0x0  }
0x4c: {  	[sflag:s21] =	ssyncadd.s32 $0xFFFFF800  }
0x4d: {  	_ =	swait.ge [sflag:s21], $0x800  }
0x4e: {  	[sflag:s21] =	ssyncset.done $0x0  }
0x4f: {  	[sflag:s21] =	ssyncadd.s32 $0xFFFFF800  }
0x50: {  	_ =	swait.ge [sflag:s21], $0x800  }
0x51: {  	[sflag:s21] =	ssyncset.done $0x0  }
0x52: {  	[sflag:s21] =	ssyncadd.s32 $0xFFFFF800  }
0x53: {  	_ =	swait.ge [sflag:s21], $0x800  }
0x54: {  	[sflag:s21] =	ssyncset.done $0x0  }
0x55: {  	[sflag:s21] =	ssyncadd.s32 $0xFFFFF800  }
0x56: {  	_ =	swait.ge [sflag:s21], $0x800  }
0x57: {  	[sflag:s21] =	ssyncset.done $0x0  }
0x58: {  	[sflag:s21] =	ssyncadd.s32 $0xFFFFF800  }
0x59: {  	_ =	swait.ge [sflag:s21], $0x800  }
0x5a: {  	[sflag:s21] =	ssyncset.done $0x0  }
0x5b: {  	[sflag:s21] =	ssyncadd.s32 $0xFFFFF800  }
0x5c: {  	_ =	swait.ge [sflag:s21], $0x800  }
0x5d: {  	[sflag:s21] =	ssyncset.done $0x0  }
0x5e: {  	[sflag:s21] =	ssyncadd.s32 $0xFFFFF800  }
0x5f: {  	_ =	swait.ge [sflag:s21], $0x800  }
.Ltmp1:
0x60: {  	[sflag:s21] =	ssyncset.done $0x0;
	(pc) =	sbr.rel @p0 .LBB2_1-.Ltmp1, $4  }
0x61: {  	[sflag:s21] =	ssyncadd.s32 $0xFFFFF800  }
0x62: {  	[hbm4b:s22+s2] =	stream.linear.scatter [tilespmem:s7], [sflag:$0x2], $0x4000, $0x38;
	[tilespmem:$0x4080] =	vst v63  }
0x63: {  	_ =	swait.ge [sflag:s3], $0x4000  }
0x64: {  	[sflag:s3] =	ssyncset.done $0x0  }
.LBB2_2:
0x65: {  	[sflag:s3] =	ssyncadd.s32 $0xFFFFC000  }
0x66: {  	_ =	sfence.sel $0x180000  }
0x67: {  	[bflag:$0x0] =	sbarrier.arrive $0xFFFF  }
0x68: {  	p0 =	sne.s32 s0, $0x0;
	_ =	strace $0x90000047  }
0x69: {  	s0 =	sadd.s32 @!p0 $0x100000, s1;
	[bflag:$0x2] =	sbarrier.arrive $0xFFFF  }
0x6a: {  	[sflag:s0] =	ssyncadd.tile.s32 @!p0 $0x1;
	_ =	shalt  }
.Lfunc_end2:
_tile_overlayer_lowered:
.L_overlay_start_2:
0x6b: {  	(tag) =	ssettag $0x2  }
0x6c: {  	s0 =	rddreg [dreg:$0x0];
	s2 =	stileid.u32  }
0x6d: {  	s1 =	rddreg [dreg:$0x1];
	p0 =	sne.s32 s2, $0x0  }
0x6e: {  	s3 =	rddreg [dreg:$0x2];
	[bflag:$0x3] =	sbarrier.arrive $0xFFFF;
	s2 =	simm.s32 @!p0 $0x1C02  }
0x6f: {  	[timem:s3], [sflag:s2] =	dma.local @!p0 [hbm:s0], s1  }
0x70: {  	s0 =	simm.s32 @!p0 $0x2  }
0x71: {  	_ =	swait.ge @!p0 [sflag:s0], s1  }
0x72: {  	s1 =	ssub.s32 @!p0 $0x0, s1;
	[sflag:s0] =	ssyncset.done @!p0 $0x0  }
0x73: {  	[sflag:s0] =	ssyncadd.s32 @!p0 s1  }
0x74: {  	[bflag:$0x3] =	sbarrier.arrive $0xFFFF  }
0x75: {  	_ =	shalt  }

</sc_bundles>
